<compile_context>
chip_gen: v7x
topology: tpu7x:2x2x1
jax: 0.10.2.dev20260603
libtpu: 0.0.44.dev20260713+nightly
codegen_flags: <defaults>
</compile_context>

<pallas_src>
import functools

import jax
import jax.numpy as jnp
from jax import lax
from jax.experimental import pallas as pl
from jax.experimental.pallas import tpu as pltpu
from jax.experimental.pallas import tpu_sc as plsc

N = 10000
F = 128
K = 100
C = 10
E = 320000
NPAD = 10112
DP = 128
NC, NS = 2, 16
NW = NC * NS
CH = 128
NCHK = 80
BLK = 16
NBLK = NCHK // BLK
EPW = NCHK * CH
EPAD = NW * EPW
RPS = NPAD // NS

def _dot(a, b, dims):
    return lax.dot_general(a, b, (dims, ((), ())),
                           preferred_element_type=jnp.float32)



def _sc_degree_body(dst_hbm, zdp_hbm, ones_hbm, out_hbm, idx_v, ones_v, acc,
                    sem):
    c = lax.axis_index("c")
    s = lax.axis_index("s")
    wid = c * NS + s
    pltpu.sync_copy(zdp_hbm.at[pl.ds(s * RPS, RPS)], acc.at[pl.ds(s * RPS, RPS)])
    pltpu.sync_copy(dst_hbm.at[pl.ds(wid * NCHK, NCHK)], idx_v)
    pltpu.sync_copy(ones_hbm, ones_v)
    plsc.subcore_barrier()

    def body(g, carry):
        for q in range(4):
            pltpu.async_copy(ones_v, acc.at[idx_v.at[4 * g + q]], sem, add=True)
        for q in range(4):
            pltpu.make_async_copy(ones_v, acc.at[idx_v.at[4 * g + q]], sem).wait()
        return carry

    lax.fori_loop(0, NCHK // 4, body, 0)
    plsc.subcore_barrier()
    pltpu.sync_copy(acc.at[pl.ds(s * RPS, RPS)], out_hbm.at[c, pl.ds(s * RPS, RPS)])


def _sc_aggregate_body(u_hbm, src_hbm, dst_hbm, zdp_hbm, out_hbm,
                       sidx, didx, rows_v, acc, sem):
    c = lax.axis_index("c")
    s = lax.axis_index("s")
    wid = c * NS + s
    base = wid * NCHK
    pltpu.sync_copy(zdp_hbm.at[pl.ds(s * RPS, RPS)], acc.at[pl.ds(s * RPS, RPS)])
    pltpu.sync_copy(src_hbm.at[pl.ds(base, NCHK)], sidx)
    pltpu.sync_copy(dst_hbm.at[pl.ds(base, NCHK)], didx)
    plsc.subcore_barrier()

    def body(j, carry):
        pltpu.async_copy(u_hbm.at[sidx.at[j]], rows_v, sem).wait()
        pltpu.sync_copy(rows_v, acc.at[didx.at[j]], add=True)
        return carry

    lax.fori_loop(0, NCHK, body, 0)
    plsc.subcore_barrier()
    pltpu.sync_copy(acc.at[pl.ds(s * RPS, RPS)], out_hbm.at[c, pl.ds(s * RPS, RPS)])


@functools.cache
def _sc_kernels():
    mesh = plsc.VectorSubcoreMesh(core_axis_name="c", subcore_axis_name="s",
                                  num_cores=NC, num_subcores=NS)
    degree = pl.kernel(
        _sc_degree_body,
        out_type=jax.ShapeDtypeStruct((NC, NPAD, DP), jnp.float32),
        mesh=mesh,
        scratch_types=[
            pltpu.VMEM((NCHK, CH), jnp.int32),
            pltpu.VMEM((CH, DP), jnp.float32),
            pltpu.VMEM_SHARED((NPAD, DP), jnp.float32),
            pltpu.SemaphoreType.DMA,
        ],
    )
    aggregate = pl.kernel(
        _sc_aggregate_body,
        out_type=jax.ShapeDtypeStruct((NC, NPAD, DP), jnp.float32),
        mesh=mesh,
        scratch_types=[
            pltpu.VMEM((NCHK, CH), jnp.int32),
            pltpu.VMEM((NCHK, CH), jnp.int32),
            pltpu.VMEM((CH, DP), jnp.float32),
            pltpu.VMEM_SHARED((NPAD, DP), jnp.float32),
            pltpu.SemaphoreType.DMA,
        ],
    )
    return degree, aggregate



def _tc1a_body(x_ref, y_ref, w1_ref, w1eff_ref):
    x = x_ref[...]
    y = y_ref[...]
    lane = lax.broadcasted_iota(jnp.int32, (NPAD, F), 1)
    Y = (y == lane).astype(jnp.float32)
    obs = _dot(Y, x, ((0,), (0,)))
    ones_col = jnp.ones((NPAD, 1), jnp.float32)
    ccol = _dot(Y, ones_col, ((0,), (0,)))
    fc = jnp.sum(x, axis=0, keepdims=True)
    expected = (ccol * (1.0 / N)) * fc
    term = jnp.where(expected > 0.0,
                     (obs - expected) ** 2 / jnp.where(expected > 0.0, expected, 1.0),
                     0.0)
    chi2r = jnp.sum(term, axis=0, keepdims=True)
    ident = (lax.broadcasted_iota(jnp.int32, (F, F), 0)
             == lax.broadcasted_iota(jnp.int32, (F, F), 1)).astype(jnp.float32)
    chi2c = _dot(ident, chi2r, ((1,), (1,)))
    ir = lax.broadcasted_iota(jnp.int32, (F, F), 0)
    ic = lax.broadcasted_iota(jnp.int32, (F, F), 1)
    gt = (chi2c > chi2r).astype(jnp.float32)
    tie = ((chi2c == chi2r) & (ir < ic)).astype(jnp.float32)
    rankr = jnp.sum(gt + tie, axis=0, keepdims=True)
    selr = (rankr < float(K)).astype(jnp.float32)
    selc = _dot(ident, selr, ((1,), (1,)))
    lt = (ic < ir).astype(jnp.float32)
    posc = _dot(lt, selc, ((1,), (0,)))
    lane_f = lax.broadcasted_iota(jnp.int32, (F, F), 1).astype(jnp.float32)
    S = selc * (posc == lane_f).astype(jnp.float32)
    w1eff_ref[...] = _dot(S, w1_ref[...], ((1,), (0,)))


def _tc1b_body(x_ref, w1eff_ref, degp_ref, u1_ref, dinv_ref):
    xw1 = _dot(x_ref[...], w1eff_ref[...], ((1,), (0,)))
    degp = degp_ref[...]
    deg = (degp[0] + degp[1])[:, 0:1] + 1.0
    dinv = lax.rsqrt(deg)
    u1_ref[...] = dinv * xw1
    dinv_ref[...] = dinv


def _tc2_body(part_ref, u_ref, dinv_ref, w2_ref, b1_ref, u2_ref):
    part = part_ref[...]
    dinv = dinv_ref[...]
    h1 = dinv * (part[0] + part[1] + u_ref[...]) + b1_ref[...]
    u2_ref[...] = dinv * _dot(h1, w2_ref[...], ((1,), (0,)))


def _tc3_body(part_ref, u_ref, dinv_ref, b2_ref, l1w_ref, l1b_ref,
              l2w_ref, l2b_ref, out_ref):
    part = part_ref[...]
    dinv = dinv_ref[...]
    h2 = dinv * (part[0] + part[1] + u_ref[...]) + b2_ref[...]
    z = jnp.maximum(_dot(h2, l1w_ref[...], ((1,), (0,))) + l1b_ref[...], 0.0)
    out_ref[...] = _dot(l2w_ref[...], z, ((0,), (1,))) + l2b_ref[...]


_tc1a = pl.pallas_call(
    _tc1a_body,
    out_shape=jax.ShapeDtypeStruct((F, DP), jnp.float32),
)

_tc1b = pl.pallas_call(
    _tc1b_body,
    out_shape=(jax.ShapeDtypeStruct((NPAD, DP), jnp.float32),
               jax.ShapeDtypeStruct((NPAD, 1), jnp.float32)),
)

_tc2 = pl.pallas_call(
    _tc2_body,
    out_shape=jax.ShapeDtypeStruct((NPAD, DP), jnp.float32),
)

_tc3 = pl.pallas_call(
    _tc3_body,
    out_shape=jax.ShapeDtypeStruct((1, NPAD), jnp.float32),
)


def kernel(x, edge_index, batch, current_y, W1, b1, W2, b2, L1w, L1b, L2w, L2b):
    f32 = jnp.float32
    xp = jnp.pad(x, ((0, NPAD - N), (0, 0)))
    yp = jnp.pad(current_y.reshape(N, 1), ((0, NPAD - N), (0, 0)),
                 constant_values=-1)
    pad_e = jnp.full((EPAD - E,), N, jnp.int32)
    src = jnp.concatenate([edge_index[0], pad_e]).reshape(NW * NCHK, CH)
    dst = jnp.concatenate([edge_index[1], pad_e]).reshape(NW * NCHK, CH)
    zdp = jnp.zeros((NPAD, DP), f32)
    onesdp = jnp.ones((CH, DP), f32)
    W1p = jnp.pad(W1, ((0, DP - K), (0, DP - 100)))
    W2p = jnp.pad(W2, ((0, DP - 100), (0, DP - 100)))
    b1p = jnp.pad(b1, (0, DP - 100)).reshape(1, DP)
    b2p = jnp.pad(b2, (0, DP - 100)).reshape(1, DP)
    L1wp = jnp.pad(L1w, ((0, DP - 100), (0, DP - 10)))
    L1bp = jnp.pad(L1b, (0, DP - 10)).reshape(1, DP)
    L2wp = jnp.pad(L2w, ((0, DP - 10), (0, 0)))
    L2b11 = L2b.reshape(1, 1)

    sc_degree, sc_aggregate = _sc_kernels()
    degp = sc_degree(dst, zdp, onesdp)
    w1eff = _tc1a(xp, yp, W1p)
    u1, dinv = _tc1b(xp, w1eff, degp)
    part1 = sc_aggregate(u1, src, dst, zdp)
    u2 = _tc2(part1, u1, dinv, W2p, b1p)
    part2 = sc_aggregate(u2, src, dst, zdp)
    outp = _tc3(part2, u2, dinv, b2p, L1wp, L1bp, L2wp, L2b11)
    return outp[:, :N]

# --- scband reference (transcript-rebuilt; emitter-appended) ---
"""Pipeline reference for scband-graph-net-v1-893353198489 (READ-ONLY COPY).

The authoritative reference and input builder live on the scoring server;
editing this copy changes nothing except your own understanding.
"""

import jax, jax.numpy as jnp
import numpy as np

N_NODES = 10000
N_EDGES = 320000
D_FEAT = 128
K_SEL = 100
N_CLASSES = 10
N_GRAPHS = 32


def setup_inputs(seed: int = 0) -> dict:
    key = jax.random.key(seed)
    ks = jax.random.split(key, 12)
    x = jax.random.uniform(ks[0], (N_NODES, D_FEAT), dtype=jnp.float32)  # non-negative, required by chi2
    edge_index = jax.random.randint(ks[1], (2, N_EDGES), 0, N_NODES, dtype=jnp.int32)
    batch = jnp.sort(jax.random.randint(ks[2], (N_NODES,), 0, N_GRAPHS, dtype=jnp.int32))
    current_y = jax.random.randint(ks[3], (N_NODES, 1), 0, N_CLASSES, dtype=jnp.int32)
    W1 = jax.random.normal(ks[4], (K_SEL, 100), dtype=jnp.float32) * 0.1
    b1 = jnp.zeros((100,), dtype=jnp.float32)
    W2 = jax.random.normal(ks[5], (100, 100), dtype=jnp.float32) * 0.1
    b2 = jnp.zeros((100,), dtype=jnp.float32)
    L1w = jax.random.normal(ks[6], (100, 10), dtype=jnp.float32) * 0.1
    L1b = jnp.zeros((10,), dtype=jnp.float32)
    L2w = jax.random.normal(ks[7], (10, 1), dtype=jnp.float32) * 0.1
    L2b = jnp.zeros((1,), dtype=jnp.float32)
    return {"x": x, "edge_index": edge_index, "batch": batch, "current_y": current_y,
            "W1": W1, "b1": b1, "W2": W2, "b2": b2,
            "L1w": L1w, "L1b": L1b, "L2w": L2w, "L2b": L2b}


def _chi2_select(x, y):
    # sklearn SelectKBest(chi2, k=100): chi2 stat per feature vs class labels,
    # keep top-k feature columns (in original column order -> sort indices).
    Y = jax.nn.one_hot(y, N_CLASSES, dtype=x.dtype)            # [N, C]
    observed = Y.T @ x                                          # [C, F]
    feature_count = jnp.sum(x, axis=0)                          # [F]
    class_prob = jnp.mean(Y, axis=0)                            # [C]
    expected = class_prob[:, None] * feature_count[None, :]     # [C, F]
    chi2 = jnp.sum(jnp.where(expected > 0, (observed - expected) ** 2 / expected, 0.0), axis=0)
    _, idx = jax.lax.top_k(chi2, K_SEL)
    idx = jnp.sort(idx)
    return jnp.take(x, idx, axis=1)


def _gcn_conv(x, src, dst, W, b):
    # torch_geometric GCNConv: add self loops + symmetric normalization
    n = x.shape[0]
    xw = x @ W
    deg = jnp.zeros((n,), x.dtype).at[dst].add(1.0)
    dinv = jnp.where(deg > 0, jax.lax.rsqrt(deg), 0.0)
    norm = dinv[src] * dinv[dst]
    msg = jnp.take(xw, src, axis=0) * norm[:, None]
    out = jax.ops.segment_sum(msg, dst, num_segments=n)
    return out + b


def reference(x, edge_index, batch, current_y, W1, b1, W2, b2, L1w, L1b, L2w, L2b):
    y = current_y.reshape(-1)
    # original: x = x / ||x|| (detached) -- result immediately overwritten by SelectKBest output
    nm = jnp.linalg.norm(x)
    _ = x / nm
    h = _chi2_select(x, y)
    loop = jnp.arange(x.shape[0], dtype=edge_index.dtype)
    src = jnp.concatenate([edge_index[0], loop])
    dst = jnp.concatenate([edge_index[1], loop])
    h = _gcn_conv(h, src, dst, W1, b1)
    h = _gcn_conv(h, src, dst, W2, b2)
    h = h @ L1w + L1b
    h = jax.nn.relu(h)
    h = h @ L2w + L2b
    return h.T

if __name__ == "__main__":
    import jax
    _d = setup_inputs()
    print(jax.jit(kernel)(*tuple(_d.values())))

</pallas_src>

<mosaic_0001>
#map = affine_map<(d0, d1) -> (0, 0)>
#map1 = affine_map<(d0, d1) -> (0, 0, 0)>
module attributes {stable_mosaic.version = 14 : i64} {
  func.func @_sc_aggregate_body(%arg0: i32, %arg1: i32, %arg2: memref<10112x128xf32, #tpu.memory_space<hbm>>, %arg3: memref<2560x128xi32, #tpu.memory_space<hbm>>, %arg4: memref<2560x128xi32, #tpu.memory_space<hbm>>, %arg5: memref<10112x128xf32, #tpu.memory_space<hbm>>, %arg6: memref<2x10112x128xf32, #tpu.memory_space<hbm>>, %arg7: memref<80x128xi32, #tpu.memory_space<vmem>>, %arg8: memref<80x128xi32, #tpu.memory_space<vmem>>, %arg9: memref<128x128xf32, #tpu.memory_space<vmem>>, %arg10: memref<10112x128xf32, #tpu.memory_space<vmem_shared>>, %arg11: memref<!tpu.dma_semaphore, #tpu.memory_space<semaphore_mem>>) attributes {dimension_semantics = [#tpu.dimension_semantics<core_parallel>, #tpu.dimension_semantics<subcore_parallel>], iteration_bounds = array<i64: 2, 16>, scalar_prefetch = 0 : i64, scratch_operands = 5 : i64, tpu.core_type = #tpu.core_type<sc_vector_subcore>, window_params = [{transform_indices = #map}, {transform_indices = #map}, {transform_indices = #map}, {transform_indices = #map}, {transform_indices = #map1}]} {
    %mul3A = arith.constant 16 : i32
    %mul3A_0 = arith.muli %arg0, %mul3A : i32
    %add3A = arith.addi %mul3A_0, %arg1 : i32
    %mul3A_1 = arith.constant 80 : i32
    %mul3A_2 = arith.muli %add3A, %mul3A_1 : i32
    %mul3A_3 = arith.constant 632 : i32
    %mul3A_4 = arith.muli %arg1, %mul3A_3 : i32
    %mul3A_5 = arith.constant 632 : i32
    %mul3A_6 = arith.muli %arg1, %mul3A_5 : i32
    "tpu.region"() ({
      %run_scoped3A = tpu.sem_alloc : memref<!tpu.dma_semaphore, #tpu.memory_space<semaphore_mem>>
      %dma_start3A = arith.constant 0 : i32
      %dma_start3A_17 = tpu.memref_slice %arg10[%mul3A_6, %dma_start3A] : memref<10112x128xf32, #tpu.memory_space<vmem_shared>> -> memref<632x128xf32, #tpu.memory_space<vmem_shared>>
      %dma_start3A_18 = arith.constant 0 : i32
      %dma_start3A_19 = tpu.memref_slice %arg5[%mul3A_4, %dma_start3A_18] : memref<10112x128xf32, #tpu.memory_space<hbm>> -> memref<632x128xf32, #tpu.memory_space<hbm>>
      tpu.enqueue_dma source(%dma_start3A_19 : memref<632x128xf32, #tpu.memory_space<hbm>>) target(%dma_start3A_17 : memref<632x128xf32, #tpu.memory_space<vmem_shared>>) target_semaphore(%run_scoped3A : memref<!tpu.dma_semaphore, #tpu.memory_space<semaphore_mem>>)
      %dma_wait3A = arith.constant 0 : i32
      %dma_wait3A_20 = tpu.memref_slice %arg10[%mul3A_6, %dma_wait3A] : memref<10112x128xf32, #tpu.memory_space<vmem_shared>> -> memref<632x128xf32, #tpu.memory_space<vmem_shared>>
      %dma_wait3A_21 = arith.constant 0 : i32
      %dma_wait3A_22 = tpu.memref_slice %arg5[%mul3A_4, %dma_wait3A_21] : memref<10112x128xf32, #tpu.memory_space<hbm>> -> memref<632x128xf32, #tpu.memory_space<hbm>>
      tpu.wait_dma2 semaphore(%run_scoped3A : memref<!tpu.dma_semaphore, #tpu.memory_space<semaphore_mem>>) src(%dma_wait3A_22 : memref<632x128xf32, #tpu.memory_space<hbm>>) dst(%dma_wait3A_20 : memref<632x128xf32, #tpu.memory_space<vmem_shared>>)
      tpu.yield
    }) : () -> ()
    "tpu.region"() ({
      %run_scoped3A = tpu.sem_alloc : memref<!tpu.dma_semaphore, #tpu.memory_space<semaphore_mem>>
      %dma_start3A = arith.constant 0 : i32
      %dma_start3A_17 = tpu.memref_slice %arg3[%mul3A_2, %dma_start3A] : memref<2560x128xi32, #tpu.memory_space<hbm>> -> memref<80x128xi32, #tpu.memory_space<hbm>>
      %dma_start3A_18 = arith.constant 0 : i32
      %dma_start3A_19 = tpu.memref_slice %arg3[%mul3A_2, %dma_start3A_18] : memref<2560x128xi32, #tpu.memory_space<hbm>> -> memref<80x128xi32, #tpu.memory_space<hbm>>
      tpu.enqueue_dma source(%dma_start3A_19 : memref<80x128xi32, #tpu.memory_space<hbm>>) target(%arg7 : memref<80x128xi32, #tpu.memory_space<vmem>>) target_semaphore(%run_scoped3A : memref<!tpu.dma_semaphore, #tpu.memory_space<semaphore_mem>>)
      %dma_wait3A = arith.constant 0 : i32
      %dma_wait3A_20 = tpu.memref_slice %arg3[%mul3A_2, %dma_wait3A] : memref<2560x128xi32, #tpu.memory_space<hbm>> -> memref<80x128xi32, #tpu.memory_space<hbm>>
      %dma_wait3A_21 = arith.constant 0 : i32
      %dma_wait3A_22 = tpu.memref_slice %arg3[%mul3A_2, %dma_wait3A_21] : memref<2560x128xi32, #tpu.memory_space<hbm>> -> memref<80x128xi32, #tpu.memory_space<hbm>>
      tpu.wait_dma2 semaphore(%run_scoped3A : memref<!tpu.dma_semaphore, #tpu.memory_space<semaphore_mem>>) src(%dma_wait3A_22 : memref<80x128xi32, #tpu.memory_space<hbm>>) dst(%arg7 : memref<80x128xi32, #tpu.memory_space<vmem>>)
      tpu.yield
    }) : () -> ()
    "tpu.region"() ({
      %run_scoped3A = tpu.sem_alloc : memref<!tpu.dma_semaphore, #tpu.memory_space<semaphore_mem>>
      %dma_start3A = arith.constant 0 : i32
      %dma_start3A_17 = tpu.memref_slice %arg4[%mul3A_2, %dma_start3A] : memref<2560x128xi32, #tpu.memory_space<hbm>> -> memref<80x128xi32, #tpu.memory_space<hbm>>
      %dma_start3A_18 = arith.constant 0 : i32
      %dma_start3A_19 = tpu.memref_slice %arg4[%mul3A_2, %dma_start3A_18] : memref<2560x128xi32, #tpu.memory_space<hbm>> -> memref<80x128xi32, #tpu.memory_space<hbm>>
      tpu.enqueue_dma source(%dma_start3A_19 : memref<80x128xi32, #tpu.memory_space<hbm>>) target(%arg8 : memref<80x128xi32, #tpu.memory_space<vmem>>) target_semaphore(%run_scoped3A : memref<!tpu.dma_semaphore, #tpu.memory_space<semaphore_mem>>)
      %dma_wait3A = arith.constant 0 : i32
      %dma_wait3A_20 = tpu.memref_slice %arg4[%mul3A_2, %dma_wait3A] : memref<2560x128xi32, #tpu.memory_space<hbm>> -> memref<80x128xi32, #tpu.memory_space<hbm>>
      %dma_wait3A_21 = arith.constant 0 : i32
      %dma_wait3A_22 = tpu.memref_slice %arg4[%mul3A_2, %dma_wait3A_21] : memref<2560x128xi32, #tpu.memory_space<hbm>> -> memref<80x128xi32, #tpu.memory_space<hbm>>
      tpu.wait_dma2 semaphore(%run_scoped3A : memref<!tpu.dma_semaphore, #tpu.memory_space<semaphore_mem>>) src(%dma_wait3A_22 : memref<80x128xi32, #tpu.memory_space<hbm>>) dst(%arg8 : memref<80x128xi32, #tpu.memory_space<vmem>>)
      tpu.yield
    }) : () -> ()
    %barrier3A = arith.constant 0 : index
    tpu.barrier barrier_id(%barrier3A)
    %scan3A = arith.constant 0 : i32
    %scan3A_7 = arith.constant 0 : i32
    %scan3A_8 = arith.constant 80 : i32
    %scan3A_9 = arith.addi %scan3A_7, %scan3A_8 : i32
    %scan3A_10 = arith.constant 1 : i32
    scf.for %scan3A_17 = %scan3A_7 to %scan3A_9 step %scan3A_10  : i32 {
      %dma_start3A = arith.constant 0 : i32
      %dma_start3A_18 = tpu.memref_slice %arg7[%scan3A_17, %dma_start3A] : memref<80x128xi32, #tpu.memory_space<vmem>> -> memref<1x128xi32, #tpu.memory_space<vmem>>
      %dma_start3A_19 = tpu.memref_squeeze %dma_start3A_18 : memref<1x128xi32, #tpu.memory_space<vmem>> -> memref<128xi32, #tpu.memory_space<vmem>>
      %dma_start3A_20 = arith.constant 0 : i32
      %dma_start3A_21 = arith.constant 0 : i32
      %dma_start3A_22 = tpu.memref_slice %arg2[%dma_start3A_20, %dma_start3A_21] : memref<10112x128xf32, #tpu.memory_space<hbm>> -> memref<10112x128xf32, #tpu.memory_space<hbm>>
      tpu.enqueue_indirect_dma source(%dma_start3A_22 : memref<10112x128xf32, #tpu.memory_space<hbm>>) target(%arg9 : memref<128x128xf32, #tpu.memory_space<vmem>>) offsets(%dma_start3A_19 : memref<128xi32, #tpu.memory_space<vmem>>) semaphore(%arg11 : memref<!tpu.dma_semaphore, #tpu.memory_space<semaphore_mem>>)
      %dma_wait3A = arith.constant 0 : i32
      %dma_wait3A_23 = tpu.memref_slice %arg7[%scan3A_17, %dma_wait3A] : memref<80x128xi32, #tpu.memory_space<vmem>> -> memref<1x128xi32, #tpu.memory_space<vmem>>
      %dma_wait3A_24 = tpu.memref_squeeze %dma_wait3A_23 : memref<1x128xi32, #tpu.memory_space<vmem>> -> memref<128xi32, #tpu.memory_space<vmem>>
      %dma_wait3A_25 = arith.constant 0 : i32
      %dma_wait3A_26 = arith.constant 0 : i32
      %dma_wait3A_27 = tpu.memref_slice %arg2[%dma_wait3A_25, %dma_wait3A_26] : memref<10112x128xf32, #tpu.memory_space<hbm>> -> memref<10112x128xf32, #tpu.memory_space<hbm>>
      tpu.wait_indirect_dma semaphore(%arg11 : memref<!tpu.dma_semaphore, #tpu.memory_space<semaphore_mem>>) src(%dma_wait3A_27 : memref<10112x128xf32, #tpu.memory_space<hbm>>) dst(%arg9 : memref<128x128xf32, #tpu.memory_space<vmem>>)
      "tpu.region"() ({
        %run_scoped3A = tpu.sem_alloc : memref<!tpu.dma_semaphore, #tpu.memory_space<semaphore_mem>>
        %dma_start3A_28 = arith.constant 0 : i32
        %dma_start3A_29 = tpu.memref_slice %arg8[%scan3A_17, %dma_start3A_28] : memref<80x128xi32, #tpu.memory_space<vmem>> -> memref<1x128xi32, #tpu.memory_space<vmem>>
        %dma_start3A_30 = tpu.memref_squeeze %dma_start3A_29 : memref<1x128xi32, #tpu.memory_space<vmem>> -> memref<128xi32, #tpu.memory_space<vmem>>
        %dma_start3A_31 = arith.constant 0 : i32
        %dma_start3A_32 = arith.constant 0 : i32
        %dma_start3A_33 = tpu.memref_slice %arg10[%dma_start3A_31, %dma_start3A_32] : memref<10112x128xf32, #tpu.memory_space<vmem_shared>> -> memref<10112x128xf32, #tpu.memory_space<vmem_shared>>
        tpu.enqueue_indirect_dma source(%arg9 : memref<128x128xf32, #tpu.memory_space<vmem>>) target(%dma_start3A_33 : memref<10112x128xf32, #tpu.memory_space<vmem_shared>>) offsets(%dma_start3A_30 : memref<128xi32, #tpu.memory_space<vmem>>) semaphore(%run_scoped3A : memref<!tpu.dma_semaphore, #tpu.memory_space<semaphore_mem>>) {add = true}
        %dma_wait3A_34 = arith.constant 0 : i32
        %dma_wait3A_35 = tpu.memref_slice %arg8[%scan3A_17, %dma_wait3A_34] : memref<80x128xi32, #tpu.memory_space<vmem>> -> memref<1x128xi32, #tpu.memory_space<vmem>>
        %dma_wait3A_36 = tpu.memref_squeeze %dma_wait3A_35 : memref<1x128xi32, #tpu.memory_space<vmem>> -> memref<128xi32, #tpu.memory_space<vmem>>
        %dma_wait3A_37 = arith.constant 0 : i32
        %dma_wait3A_38 = arith.constant 0 : i32
        %dma_wait3A_39 = tpu.memref_slice %arg10[%dma_wait3A_37, %dma_wait3A_38] : memref<10112x128xf32, #tpu.memory_space<vmem_shared>> -> memref<10112x128xf32, #tpu.memory_space<vmem_shared>>
        tpu.wait_indirect_dma semaphore(%run_scoped3A : memref<!tpu.dma_semaphore, #tpu.memory_space<semaphore_mem>>) src(%arg9 : memref<128x128xf32, #tpu.memory_space<vmem>>) dst(%dma_wait3A_39 : memref<10112x128xf32, #tpu.memory_space<vmem_shared>>)
        tpu.yield
      }) : () -> ()
    }
    %scan3A_11 = arith.constant 80 : i32
    %barrier3A_12 = arith.constant 0 : index
    tpu.barrier barrier_id(%barrier3A_12)
    %mul3A_13 = arith.constant 632 : i32
    %mul3A_14 = arith.muli %arg1, %mul3A_13 : i32
    %mul3A_15 = arith.constant 632 : i32
    %mul3A_16 = arith.muli %arg1, %mul3A_15 : i32
    "tpu.region"() ({
      %run_scoped3A = tpu.sem_alloc : memref<!tpu.dma_semaphore, #tpu.memory_space<semaphore_mem>>
      %dma_start3A = arith.constant 0 : i32
      %dma_start3A_17 = tpu.memref_slice %arg6[%arg0, %mul3A_16, %dma_start3A] : memref<2x10112x128xf32, #tpu.memory_space<hbm>> -> memref<1x632x128xf32, #tpu.memory_space<hbm>>
      %dma_start3A_18 = tpu.memref_squeeze %dma_start3A_17 : memref<1x632x128xf32, #tpu.memory_space<hbm>> -> memref<632x128xf32, #tpu.memory_space<hbm>>
      %dma_start3A_19 = arith.constant 0 : i32
      %dma_start3A_20 = tpu.memref_slice %arg10[%mul3A_14, %dma_start3A_19] : memref<10112x128xf32, #tpu.memory_space<vmem_shared>> -> memref<632x128xf32, #tpu.memory_space<vmem_shared>>
      tpu.enqueue_dma source(%dma_start3A_20 : memref<632x128xf32, #tpu.memory_space<vmem_shared>>) target(%dma_start3A_18 : memref<632x128xf32, #tpu.memory_space<hbm>>) target_semaphore(%run_scoped3A : memref<!tpu.dma_semaphore, #tpu.memory_space<semaphore_mem>>)
      %dma_wait3A = arith.constant 0 : i32
      %dma_wait3A_21 = tpu.memref_slice %arg6[%arg0, %mul3A_16, %dma_wait3A] : memref<2x10112x128xf32, #tpu.memory_space<hbm>> -> memref<1x632x128xf32, #tpu.memory_space<hbm>>
      %dma_wait3A_22 = tpu.memref_squeeze %dma_wait3A_21 : memref<1x632x128xf32, #tpu.memory_space<hbm>> -> memref<632x128xf32, #tpu.memory_space<hbm>>
      %dma_wait3A_23 = arith.constant 0 : i32
      %dma_wait3A_24 = tpu.memref_slice %arg10[%mul3A_14, %dma_wait3A_23] : memref<10112x128xf32, #tpu.memory_space<vmem_shared>> -> memref<632x128xf32, #tpu.memory_space<vmem_shared>>
      tpu.wait_dma2 semaphore(%run_scoped3A : memref<!tpu.dma_semaphore, #tpu.memory_space<semaphore_mem>>) src(%dma_wait3A_24 : memref<632x128xf32, #tpu.memory_space<vmem_shared>>) dst(%dma_wait3A_22 : memref<632x128xf32, #tpu.memory_space<hbm>>)
      tpu.yield
    }) : () -> ()
    return
  }
}

#map = affine_map<(d0, d1) -> (0, 0)>
#map1 = affine_map<(d0, d1) -> (0, 0, 0)>
module attributes {stable_mosaic.version = 14 : i64} {
  func.func @_sc_degree_body(%arg0: i32, %arg1: i32, %arg2: memref<2560x128xi32, #tpu.memory_space<hbm>>, %arg3: memref<10112x128xf32, #tpu.memory_space<hbm>>, %arg4: memref<128x128xf32, #tpu.memory_space<hbm>>, %arg5: memref<2x10112x128xf32, #tpu.memory_space<hbm>>, %arg6: memref<80x128xi32, #tpu.memory_space<vmem>>, %arg7: memref<128x128xf32, #tpu.memory_space<vmem>>, %arg8: memref<10112x128xf32, #tpu.memory_space<vmem_shared>>, %arg9: memref<!tpu.dma_semaphore, #tpu.memory_space<semaphore_mem>>) attributes {dimension_semantics = [#tpu.dimension_semantics<core_parallel>, #tpu.dimension_semantics<subcore_parallel>], iteration_bounds = array<i64: 2, 16>, scalar_prefetch = 0 : i64, scratch_operands = 4 : i64, tpu.core_type = #tpu.core_type<sc_vector_subcore>, window_params = [{transform_indices = #map}, {transform_indices = #map}, {transform_indices = #map}, {transform_indices = #map1}]} {
    %mul3A = arith.constant 16 : i32
    %mul3A_0 = arith.muli %arg0, %mul3A : i32
    %add3A = arith.addi %mul3A_0, %arg1 : i32
    %mul3A_1 = arith.constant 632 : i32
    %mul3A_2 = arith.muli %arg1, %mul3A_1 : i32
    %mul3A_3 = arith.constant 632 : i32
    %mul3A_4 = arith.muli %arg1, %mul3A_3 : i32
    "tpu.region"() ({
      %run_scoped3A = tpu.sem_alloc : memref<!tpu.dma_semaphore, #tpu.memory_space<semaphore_mem>>
      %dma_start3A = arith.constant 0 : i32
      %dma_start3A_17 = tpu.memref_slice %arg8[%mul3A_4, %dma_start3A] : memref<10112x128xf32, #tpu.memory_space<vmem_shared>> -> memref<632x128xf32, #tpu.memory_space<vmem_shared>>
      %dma_start3A_18 = arith.constant 0 : i32
      %dma_start3A_19 = tpu.memref_slice %arg3[%mul3A_2, %dma_start3A_18] : memref<10112x128xf32, #tpu.memory_space<hbm>> -> memref<632x128xf32, #tpu.memory_space<hbm>>
      tpu.enqueue_dma source(%dma_start3A_19 : memref<632x128xf32, #tpu.memory_space<hbm>>) target(%dma_start3A_17 : memref<632x128xf32, #tpu.memory_space<vmem_shared>>) target_semaphore(%run_scoped3A : memref<!tpu.dma_semaphore, #tpu.memory_space<semaphore_mem>>)
      %dma_wait3A = arith.constant 0 : i32
      %dma_wait3A_20 = tpu.memref_slice %arg8[%mul3A_4, %dma_wait3A] : memref<10112x128xf32, #tpu.memory_space<vmem_shared>> -> memref<632x128xf32, #tpu.memory_space<vmem_shared>>
      %dma_wait3A_21 = arith.constant 0 : i32
      %dma_wait3A_22 = tpu.memref_slice %arg3[%mul3A_2, %dma_wait3A_21] : memref<10112x128xf32, #tpu.memory_space<hbm>> -> memref<632x128xf32, #tpu.memory_space<hbm>>
      tpu.wait_dma2 semaphore(%run_scoped3A : memref<!tpu.dma_semaphore, #tpu.memory_space<semaphore_mem>>) src(%dma_wait3A_22 : memref<632x128xf32, #tpu.memory_space<hbm>>) dst(%dma_wait3A_20 : memref<632x128xf32, #tpu.memory_space<vmem_shared>>)
      tpu.yield
    }) : () -> ()
    %mul3A_5 = arith.constant 80 : i32
    %mul3A_6 = arith.muli %add3A, %mul3A_5 : i32
    "tpu.region"() ({
      %run_scoped3A = tpu.sem_alloc : memref<!tpu.dma_semaphore, #tpu.memory_space<semaphore_mem>>
      %dma_start3A = arith.constant 0 : i32
      %dma_start3A_17 = tpu.memref_slice %arg2[%mul3A_6, %dma_start3A] : memref<2560x128xi32, #tpu.memory_space<hbm>> -> memref<80x128xi32, #tpu.memory_space<hbm>>
      %dma_start3A_18 = arith.constant 0 : i32
      %dma_start3A_19 = tpu.memref_slice %arg2[%mul3A_6, %dma_start3A_18] : memref<2560x128xi32, #tpu.memory_space<hbm>> -> memref<80x128xi32, #tpu.memory_space<hbm>>
      tpu.enqueue_dma source(%dma_start3A_19 : memref<80x128xi32, #tpu.memory_space<hbm>>) target(%arg6 : memref<80x128xi32, #tpu.memory_space<vmem>>) target_semaphore(%run_scoped3A : memref<!tpu.dma_semaphore, #tpu.memory_space<semaphore_mem>>)
      %dma_wait3A = arith.constant 0 : i32
      %dma_wait3A_20 = tpu.memref_slice %arg2[%mul3A_6, %dma_wait3A] : memref<2560x128xi32, #tpu.memory_space<hbm>> -> memref<80x128xi32, #tpu.memory_space<hbm>>
      %dma_wait3A_21 = arith.constant 0 : i32
      %dma_wait3A_22 = tpu.memref_slice %arg2[%mul3A_6, %dma_wait3A_21] : memref<2560x128xi32, #tpu.memory_space<hbm>> -> memref<80x128xi32, #tpu.memory_space<hbm>>
      tpu.wait_dma2 semaphore(%run_scoped3A : memref<!tpu.dma_semaphore, #tpu.memory_space<semaphore_mem>>) src(%dma_wait3A_22 : memref<80x128xi32, #tpu.memory_space<hbm>>) dst(%arg6 : memref<80x128xi32, #tpu.memory_space<vmem>>)
      tpu.yield
    }) : () -> ()
    "tpu.region"() ({
      %run_scoped3A = tpu.sem_alloc : memref<!tpu.dma_semaphore, #tpu.memory_space<semaphore_mem>>
      tpu.enqueue_dma source(%arg4 : memref<128x128xf32, #tpu.memory_space<hbm>>) target(%arg7 : memref<128x128xf32, #tpu.memory_space<vmem>>) target_semaphore(%run_scoped3A : memref<!tpu.dma_semaphore, #tpu.memory_space<semaphore_mem>>)
      tpu.wait_dma2 semaphore(%run_scoped3A : memref<!tpu.dma_semaphore, #tpu.memory_space<semaphore_mem>>) src(%arg4 : memref<128x128xf32, #tpu.memory_space<hbm>>) dst(%arg7 : memref<128x128xf32, #tpu.memory_space<vmem>>)
      tpu.yield
    }) : () -> ()
    %barrier3A = arith.constant 0 : index
    tpu.barrier barrier_id(%barrier3A)
    %scan3A = arith.constant 0 : i32
    %scan3A_7 = arith.constant 0 : i32
    %scan3A_8 = arith.constant 20 : i32
    %scan3A_9 = arith.addi %scan3A_7, %scan3A_8 : i32
    %scan3A_10 = arith.constant 1 : i32
    scf.for %scan3A_17 = %scan3A_7 to %scan3A_9 step %scan3A_10  : i32 {
      %mul3A_18 = arith.constant 4 : i32
      %mul3A_19 = arith.muli %mul3A_18, %scan3A_17 : i32
      %add3A_20 = arith.constant 0 : i32
      %add3A_21 = arith.addi %mul3A_19, %add3A_20 : i32
      %dma_start3A = arith.constant 0 : i32
      %dma_start3A_22 = tpu.memref_slice %arg6[%add3A_21, %dma_start3A] : memref<80x128xi32, #tpu.memory_space<vmem>> -> memref<1x128xi32, #tpu.memory_space<vmem>>
      %dma_start3A_23 = tpu.memref_squeeze %dma_start3A_22 : memref<1x128xi32, #tpu.memory_space<vmem>> -> memref<128xi32, #tpu.memory_space<vmem>>
      %dma_start3A_24 = arith.constant 0 : i32
      %dma_start3A_25 = arith.constant 0 : i32
      %dma_start3A_26 = tpu.memref_slice %arg8[%dma_start3A_24, %dma_start3A_25] : memref<10112x128xf32, #tpu.memory_space<vmem_shared>> -> memref<10112x128xf32, #tpu.memory_space<vmem_shared>>
      tpu.enqueue_indirect_dma source(%arg7 : memref<128x128xf32, #tpu.memory_space<vmem>>) target(%dma_start3A_26 : memref<10112x128xf32, #tpu.memory_space<vmem_shared>>) offsets(%dma_start3A_23 : memref<128xi32, #tpu.memory_space<vmem>>) semaphore(%arg9 : memref<!tpu.dma_semaphore, #tpu.memory_space<semaphore_mem>>) {add = true}
      %mul3A_27 = arith.constant 4 : i32
      %mul3A_28 = arith.muli %mul3A_27, %scan3A_17 : i32
      %add3A_29 = arith.constant 1 : i32
      %add3A_30 = arith.addi %mul3A_28, %add3A_29 : i32
      %dma_start3A_31 = arith.constant 0 : i32
      %dma_start3A_32 = tpu.memref_slice %arg6[%add3A_30, %dma_start3A_31] : memref<80x128xi32, #tpu.memory_space<vmem>> -> memref<1x128xi32, #tpu.memory_space<vmem>>
      %dma_start3A_33 = tpu.memref_squeeze %dma_start3A_32 : memref<1x128xi32, #tpu.memory_space<vmem>> -> memref<128xi32, #tpu.memory_space<vmem>>
      %dma_start3A_34 = arith.constant 0 : i32
      %dma_start3A_35 = arith.constant 0 : i32
      %dma_start3A_36 = tpu.memref_slice %arg8[%dma_start3A_34, %dma_start3A_35] : memref<10112x128xf32, #tpu.memory_space<vmem_shared>> -> memref<10112x128xf32, #tpu.memory_space<vmem_shared>>
      tpu.enqueue_indirect_dma source(%arg7 : memref<128x128xf32, #tpu.memory_space<vmem>>) target(%dma_start3A_36 : memref<10112x128xf32, #tpu.memory_space<vmem_shared>>) offsets(%dma_start3A_33 : memref<128xi32, #tpu.memory_space<vmem>>) semaphore(%arg9 : memref<!tpu.dma_semaphore, #tpu.memory_space<semaphore_mem>>) {add = true}
      %mul3A_37 = arith.constant 4 : i32
      %mul3A_38 = arith.muli %mul3A_37, %scan3A_17 : i32
      %add3A_39 = arith.constant 2 : i32
      %add3A_40 = arith.addi %mul3A_38, %add3A_39 : i32
      %dma_start3A_41 = arith.constant 0 : i32
      %dma_start3A_42 = tpu.memref_slice %arg6[%add3A_40, %dma_start3A_41] : memref<80x128xi32, #tpu.memory_space<vmem>> -> memref<1x128xi32, #tpu.memory_space<vmem>>
      %dma_start3A_43 = tpu.memref_squeeze %dma_start3A_42 : memref<1x128xi32, #tpu.memory_space<vmem>> -> memref<128xi32, #tpu.memory_space<vmem>>
      %dma_start3A_44 = arith.constant 0 : i32
      %dma_start3A_45 = arith.constant 0 : i32
      %dma_start3A_46 = tpu.memref_slice %arg8[%dma_start3A_44, %dma_start3A_45] : memref<10112x128xf32, #tpu.memory_space<vmem_shared>> -> memref<10112x128xf32, #tpu.memory_space<vmem_shared>>
      tpu.enqueue_indirect_dma source(%arg7 : memref<128x128xf32, #tpu.memory_space<vmem>>) target(%dma_start3A_46 : memref<10112x128xf32, #tpu.memory_space<vmem_shared>>) offsets(%dma_start3A_43 : memref<128xi32, #tpu.memory_space<vmem>>) semaphore(%arg9 : memref<!tpu.dma_semaphore, #tpu.memory_space<semaphore_mem>>) {add = true}
      %mul3A_47 = arith.constant 4 : i32
      %mul3A_48 = arith.muli %mul3A_47, %scan3A_17 : i32
      %add3A_49 = arith.constant 3 : i32
      %add3A_50 = arith.addi %mul3A_48, %add3A_49 : i32
      %dma_start3A_51 = arith.constant 0 : i32
      %dma_start3A_52 = tpu.memref_slice %arg6[%add3A_50, %dma_start3A_51] : memref<80x128xi32, #tpu.memory_space<vmem>> -> memref<1x128xi32, #tpu.memory_space<vmem>>
      %dma_start3A_53 = tpu.memref_squeeze %dma_start3A_52 : memref<1x128xi32, #tpu.memory_space<vmem>> -> memref<128xi32, #tpu.memory_space<vmem>>
      %dma_start3A_54 = arith.constant 0 : i32
      %dma_start3A_55 = arith.constant 0 : i32
      %dma_start3A_56 = tpu.memref_slice %arg8[%dma_start3A_54, %dma_start3A_55] : memref<10112x128xf32, #tpu.memory_space<vmem_shared>> -> memref<10112x128xf32, #tpu.memory_space<vmem_shared>>
      tpu.enqueue_indirect_dma source(%arg7 : memref<128x128xf32, #tpu.memory_space<vmem>>) target(%dma_start3A_56 : memref<10112x128xf32, #tpu.memory_space<vmem_shared>>) offsets(%dma_start3A_53 : memref<128xi32, #tpu.memory_space<vmem>>) semaphore(%arg9 : memref<!tpu.dma_semaphore, #tpu.memory_space<semaphore_mem>>) {add = true}
      %mul3A_57 = arith.constant 4 : i32
      %mul3A_58 = arith.muli %mul3A_57, %scan3A_17 : i32
      %add3A_59 = arith.constant 0 : i32
      %add3A_60 = arith.addi %mul3A_58, %add3A_59 : i32
      %dma_wait3A = arith.constant 0 : i32
      %dma_wait3A_61 = tpu.memref_slice %arg6[%add3A_60, %dma_wait3A] : memref<80x128xi32, #tpu.memory_space<vmem>> -> memref<1x128xi32, #tpu.memory_space<vmem>>
      %dma_wait3A_62 = tpu.memref_squeeze %dma_wait3A_61 : memref<1x128xi32, #tpu.memory_space<vmem>> -> memref<128xi32, #tpu.memory_space<vmem>>
      %dma_wait3A_63 = arith.constant 0 : i32
      %dma_wait3A_64 = arith.constant 0 : i32
      %dma_wait3A_65 = tpu.memref_slice %arg8[%dma_wait3A_63, %dma_wait3A_64] : memref<10112x128xf32, #tpu.memory_space<vmem_shared>> -> memref<10112x128xf32, #tpu.memory_space<vmem_shared>>
      tpu.wait_indirect_dma semaphore(%arg9 : memref<!tpu.dma_semaphore, #tpu.memory_space<semaphore_mem>>) src(%arg7 : memref<128x128xf32, #tpu.memory_space<vmem>>) dst(%dma_wait3A_65 : memref<10112x128xf32, #tpu.memory_space<vmem_shared>>)
      %mul3A_66 = arith.constant 4 : i32
      %mul3A_67 = arith.muli %mul3A_66, %scan3A_17 : i32
      %add3A_68 = arith.constant 1 : i32
      %add3A_69 = arith.addi %mul3A_67, %add3A_68 : i32
      %dma_wait3A_70 = arith.constant 0 : i32
      %dma_wait3A_71 = tpu.memref_slice %arg6[%add3A_69, %dma_wait3A_70] : memref<80x128xi32, #tpu.memory_space<vmem>> -> memref<1x128xi32, #tpu.memory_space<vmem>>
      %dma_wait3A_72 = tpu.memref_squeeze %dma_wait3A_71 : memref<1x128xi32, #tpu.memory_space<vmem>> -> memref<128xi32, #tpu.memory_space<vmem>>
      %dma_wait3A_73 = arith.constant 0 : i32
      %dma_wait3A_74 = arith.constant 0 : i32
      %dma_wait3A_75 = tpu.memref_slice %arg8[%dma_wait3A_73, %dma_wait3A_74] : memref<10112x128xf32, #tpu.memory_space<vmem_shared>> -> memref<10112x128xf32, #tpu.memory_space<vmem_shared>>
      tpu.wait_indirect_dma semaphore(%arg9 : memref<!tpu.dma_semaphore, #tpu.memory_space<semaphore_mem>>) src(%arg7 : memref<128x128xf32, #tpu.memory_space<vmem>>) dst(%dma_wait3A_75 : memref<10112x128xf32, #tpu.memory_space<vmem_shared>>)
      %mul3A_76 = arith.constant 4 : i32
      %mul3A_77 = arith.muli %mul3A_76, %scan3A_17 : i32
      %add3A_78 = arith.constant 2 : i32
      %add3A_79 = arith.addi %mul3A_77, %add3A_78 : i32
      %dma_wait3A_80 = arith.constant 0 : i32
      %dma_wait3A_81 = tpu.memref_slice %arg6[%add3A_79, %dma_wait3A_80] : memref<80x128xi32, #tpu.memory_space<vmem>> -> memref<1x128xi32, #tpu.memory_space<vmem>>
      %dma_wait3A_82 = tpu.memref_squeeze %dma_wait3A_81 : memref<1x128xi32, #tpu.memory_space<vmem>> -> memref<128xi32, #tpu.memory_space<vmem>>
      %dma_wait3A_83 = arith.constant 0 : i32
      %dma_wait3A_84 = arith.constant 0 : i32
      %dma_wait3A_85 = tpu.memref_slice %arg8[%dma_wait3A_83, %dma_wait3A_84] : memref<10112x128xf32, #tpu.memory_space<vmem_shared>> -> memref<10112x128xf32, #tpu.memory_space<vmem_shared>>
      tpu.wait_indirect_dma semaphore(%arg9 : memref<!tpu.dma_semaphore, #tpu.memory_space<semaphore_mem>>) src(%arg7 : memref<128x128xf32, #tpu.memory_space<vmem>>) dst(%dma_wait3A_85 : memref<10112x128xf32, #tpu.memory_space<vmem_shared>>)
      %mul3A_86 = arith.constant 4 : i32
      %mul3A_87 = arith.muli %mul3A_86, %scan3A_17 : i32
      %add3A_88 = arith.constant 3 : i32
      %add3A_89 = arith.addi %mul3A_87, %add3A_88 : i32
      %dma_wait3A_90 = arith.constant 0 : i32
      %dma_wait3A_91 = tpu.memref_slice %arg6[%add3A_89, %dma_wait3A_90] : memref<80x128xi32, #tpu.memory_space<vmem>> -> memref<1x128xi32, #tpu.memory_space<vmem>>
      %dma_wait3A_92 = tpu.memref_squeeze %dma_wait3A_91 : memref<1x128xi32, #tpu.memory_space<vmem>> -> memref<128xi32, #tpu.memory_space<vmem>>
      %dma_wait3A_93 = arith.constant 0 : i32
      %dma_wait3A_94 = arith.constant 0 : i32
      %dma_wait3A_95 = tpu.memref_slice %arg8[%dma_wait3A_93, %dma_wait3A_94] : memref<10112x128xf32, #tpu.memory_space<vmem_shared>> -> memref<10112x128xf32, #tpu.memory_space<vmem_shared>>
      tpu.wait_indirect_dma semaphore(%arg9 : memref<!tpu.dma_semaphore, #tpu.memory_space<semaphore_mem>>) src(%arg7 : memref<128x128xf32, #tpu.memory_space<vmem>>) dst(%dma_wait3A_95 : memref<10112x128xf32, #tpu.memory_space<vmem_shared>>)
    }
    %scan3A_11 = arith.constant 20 : i32
    %barrier3A_12 = arith.constant 0 : index
    tpu.barrier barrier_id(%barrier3A_12)
    %mul3A_13 = arith.constant 632 : i32
    %mul3A_14 = arith.muli %arg1, %mul3A_13 : i32
    %mul3A_15 = arith.constant 632 : i32
    %mul3A_16 = arith.muli %arg1, %mul3A_15 : i32
    "tpu.region"() ({
      %run_scoped3A = tpu.sem_alloc : memref<!tpu.dma_semaphore, #tpu.memory_space<semaphore_mem>>
      %dma_start3A = arith.constant 0 : i32
      %dma_start3A_17 = tpu.memref_slice %arg5[%arg0, %mul3A_16, %dma_start3A] : memref<2x10112x128xf32, #tpu.memory_space<hbm>> -> memref<1x632x128xf32, #tpu.memory_space<hbm>>
      %dma_start3A_18 = tpu.memref_squeeze %dma_start3A_17 : memref<1x632x128xf32, #tpu.memory_space<hbm>> -> memref<632x128xf32, #tpu.memory_space<hbm>>
      %dma_start3A_19 = arith.constant 0 : i32
      %dma_start3A_20 = tpu.memref_slice %arg8[%mul3A_14, %dma_start3A_19] : memref<10112x128xf32, #tpu.memory_space<vmem_shared>> -> memref<632x128xf32, #tpu.memory_space<vmem_shared>>
      tpu.enqueue_dma source(%dma_start3A_20 : memref<632x128xf32, #tpu.memory_space<vmem_shared>>) target(%dma_start3A_18 : memref<632x128xf32, #tpu.memory_space<hbm>>) target_semaphore(%run_scoped3A : memref<!tpu.dma_semaphore, #tpu.memory_space<semaphore_mem>>)
      %dma_wait3A = arith.constant 0 : i32
      %dma_wait3A_21 = tpu.memref_slice %arg5[%arg0, %mul3A_16, %dma_wait3A] : memref<2x10112x128xf32, #tpu.memory_space<hbm>> -> memref<1x632x128xf32, #tpu.memory_space<hbm>>
      %dma_wait3A_22 = tpu.memref_squeeze %dma_wait3A_21 : memref<1x632x128xf32, #tpu.memory_space<hbm>> -> memref<632x128xf32, #tpu.memory_space<hbm>>
      %dma_wait3A_23 = arith.constant 0 : i32
      %dma_wait3A_24 = tpu.memref_slice %arg8[%mul3A_14, %dma_wait3A_23] : memref<10112x128xf32, #tpu.memory_space<vmem_shared>> -> memref<632x128xf32, #tpu.memory_space<vmem_shared>>
      tpu.wait_dma2 semaphore(%run_scoped3A : memref<!tpu.dma_semaphore, #tpu.memory_space<semaphore_mem>>) src(%dma_wait3A_24 : memref<632x128xf32, #tpu.memory_space<vmem_shared>>) dst(%dma_wait3A_22 : memref<632x128xf32, #tpu.memory_space<hbm>>)
      tpu.yield
    }) : () -> ()
    return
  }
}

#map = affine_map<(d0, d1) -> (0, 0)>
#map1 = affine_map<(d0, d1) -> (0, 0, 0)>
module attributes {stable_mosaic.version = 14 : i64} {
  func.func @_sc_aggregate_body(%arg0: i32, %arg1: i32, %arg2: memref<10112x128xf32, #tpu.memory_space<hbm>>, %arg3: memref<2560x128xi32, #tpu.memory_space<hbm>>, %arg4: memref<2560x128xi32, #tpu.memory_space<hbm>>, %arg5: memref<10112x128xf32, #tpu.memory_space<hbm>>, %arg6: memref<2x10112x128xf32, #tpu.memory_space<hbm>>, %arg7: memref<80x128xi32, #tpu.memory_space<vmem>>, %arg8: memref<80x128xi32, #tpu.memory_space<vmem>>, %arg9: memref<128x128xf32, #tpu.memory_space<vmem>>, %arg10: memref<10112x128xf32, #tpu.memory_space<vmem_shared>>, %arg11: memref<!tpu.dma_semaphore, #tpu.memory_space<semaphore_mem>>) attributes {dimension_semantics = [#tpu.dimension_semantics<core_parallel>, #tpu.dimension_semantics<subcore_parallel>], iteration_bounds = array<i64: 2, 16>, scalar_prefetch = 0 : i64, scratch_operands = 5 : i64, tpu.core_type = #tpu.core_type<sc_vector_subcore>, window_params = [{transform_indices = #map}, {transform_indices = #map}, {transform_indices = #map}, {transform_indices = #map}, {transform_indices = #map1}]} {
    %mul3A = arith.constant 16 : i32
    %mul3A_0 = arith.muli %arg0, %mul3A : i32
    %add3A = arith.addi %mul3A_0, %arg1 : i32
    %mul3A_1 = arith.constant 80 : i32
    %mul3A_2 = arith.muli %add3A, %mul3A_1 : i32
    %mul3A_3 = arith.constant 632 : i32
    %mul3A_4 = arith.muli %arg1, %mul3A_3 : i32
    %mul3A_5 = arith.constant 632 : i32
    %mul3A_6 = arith.muli %arg1, %mul3A_5 : i32
    "tpu.region"() ({
      %run_scoped3A = tpu.sem_alloc : memref<!tpu.dma_semaphore, #tpu.memory_space<semaphore_mem>>
      %dma_start3A = arith.constant 0 : i32
      %dma_start3A_17 = tpu.memref_slice %arg10[%mul3A_6, %dma_start3A] : memref<10112x128xf32, #tpu.memory_space<vmem_shared>> -> memref<632x128xf32, #tpu.memory_space<vmem_shared>>
      %dma_start3A_18 = arith.constant 0 : i32
      %dma_start3A_19 = tpu.memref_slice %arg5[%mul3A_4, %dma_start3A_18] : memref<10112x128xf32, #tpu.memory_space<hbm>> -> memref<632x128xf32, #tpu.memory_space<hbm>>
      tpu.enqueue_dma source(%dma_start3A_19 : memref<632x128xf32, #tpu.memory_space<hbm>>) target(%dma_start3A_17 : memref<632x128xf32, #tpu.memory_space<vmem_shared>>) target_semaphore(%run_scoped3A : memref<!tpu.dma_semaphore, #tpu.memory_space<semaphore_mem>>)
      %dma_wait3A = arith.constant 0 : i32
      %dma_wait3A_20 = tpu.memref_slice %arg10[%mul3A_6, %dma_wait3A] : memref<10112x128xf32, #tpu.memory_space<vmem_shared>> -> memref<632x128xf32, #tpu.memory_space<vmem_shared>>
      %dma_wait3A_21 = arith.constant 0 : i32
      %dma_wait3A_22 = tpu.memref_slice %arg5[%mul3A_4, %dma_wait3A_21] : memref<10112x128xf32, #tpu.memory_space<hbm>> -> memref<632x128xf32, #tpu.memory_space<hbm>>
      tpu.wait_dma2 semaphore(%run_scoped3A : memref<!tpu.dma_semaphore, #tpu.memory_space<semaphore_mem>>) src(%dma_wait3A_22 : memref<632x128xf32, #tpu.memory_space<hbm>>) dst(%dma_wait3A_20 : memref<632x128xf32, #tpu.memory_space<vmem_shared>>)
      tpu.yield
    }) : () -> ()
    "tpu.region"() ({
      %run_scoped3A = tpu.sem_alloc : memref<!tpu.dma_semaphore, #tpu.memory_space<semaphore_mem>>
      %dma_start3A = arith.constant 0 : i32
      %dma_start3A_17 = tpu.memref_slice %arg3[%mul3A_2, %dma_start3A] : memref<2560x128xi32, #tpu.memory_space<hbm>> -> memref<80x128xi32, #tpu.memory_space<hbm>>
      %dma_start3A_18 = arith.constant 0 : i32
      %dma_start3A_19 = tpu.memref_slice %arg3[%mul3A_2, %dma_start3A_18] : memref<2560x128xi32, #tpu.memory_space<hbm>> -> memref<80x128xi32, #tpu.memory_space<hbm>>
      tpu.enqueue_dma source(%dma_start3A_19 : memref<80x128xi32, #tpu.memory_space<hbm>>) target(%arg7 : memref<80x128xi32, #tpu.memory_space<vmem>>) target_semaphore(%run_scoped3A : memref<!tpu.dma_semaphore, #tpu.memory_space<semaphore_mem>>)
      %dma_wait3A = arith.constant 0 : i32
      %dma_wait3A_20 = tpu.memref_slice %arg3[%mul3A_2, %dma_wait3A] : memref<2560x128xi32, #tpu.memory_space<hbm>> -> memref<80x128xi32, #tpu.memory_space<hbm>>
      %dma_wait3A_21 = arith.constant 0 : i32
      %dma_wait3A_22 = tpu.memref_slice %arg3[%mul3A_2, %dma_wait3A_21] : memref<2560x128xi32, #tpu.memory_space<hbm>> -> memref<80x128xi32, #tpu.memory_space<hbm>>
      tpu.wait_dma2 semaphore(%run_scoped3A : memref<!tpu.dma_semaphore, #tpu.memory_space<semaphore_mem>>) src(%dma_wait3A_22 : memref<80x128xi32, #tpu.memory_space<hbm>>) dst(%arg7 : memref<80x128xi32, #tpu.memory_space<vmem>>)
      tpu.yield
    }) : () -> ()
    "tpu.region"() ({
      %run_scoped3A = tpu.sem_alloc : memref<!tpu.dma_semaphore, #tpu.memory_space<semaphore_mem>>
      %dma_start3A = arith.constant 0 : i32
      %dma_start3A_17 = tpu.memref_slice %arg4[%mul3A_2, %dma_start3A] : memref<2560x128xi32, #tpu.memory_space<hbm>> -> memref<80x128xi32, #tpu.memory_space<hbm>>
      %dma_start3A_18 = arith.constant 0 : i32
      %dma_start3A_19 = tpu.memref_slice %arg4[%mul3A_2, %dma_start3A_18] : memref<2560x128xi32, #tpu.memory_space<hbm>> -> memref<80x128xi32, #tpu.memory_space<hbm>>
      tpu.enqueue_dma source(%dma_start3A_19 : memref<80x128xi32, #tpu.memory_space<hbm>>) target(%arg8 : memref<80x128xi32, #tpu.memory_space<vmem>>) target_semaphore(%run_scoped3A : memref<!tpu.dma_semaphore, #tpu.memory_space<semaphore_mem>>)
      %dma_wait3A = arith.constant 0 : i32
      %dma_wait3A_20 = tpu.memref_slice %arg4[%mul3A_2, %dma_wait3A] : memref<2560x128xi32, #tpu.memory_space<hbm>> -> memref<80x128xi32, #tpu.memory_space<hbm>>
      %dma_wait3A_21 = arith.constant 0 : i32
      %dma_wait3A_22 = tpu.memref_slice %arg4[%mul3A_2, %dma_wait3A_21] : memref<2560x128xi32, #tpu.memory_space<hbm>> -> memref<80x128xi32, #tpu.memory_space<hbm>>
      tpu.wait_dma2 semaphore(%run_scoped3A : memref<!tpu.dma_semaphore, #tpu.memory_space<semaphore_mem>>) src(%dma_wait3A_22 : memref<80x128xi32, #tpu.memory_space<hbm>>) dst(%arg8 : memref<80x128xi32, #tpu.memory_space<vmem>>)
      tpu.yield
    }) : () -> ()
    %barrier3A = arith.constant 0 : index
    tpu.barrier barrier_id(%barrier3A)
    %scan3A = arith.constant 0 : i32
    %scan3A_7 = arith.constant 0 : i32
    %scan3A_8 = arith.constant 80 : i32
    %scan3A_9 = arith.addi %scan3A_7, %scan3A_8 : i32
    %scan3A_10 = arith.constant 1 : i32
    scf.for %scan3A_17 = %scan3A_7 to %scan3A_9 step %scan3A_10  : i32 {
      %dma_start3A = arith.constant 0 : i32
      %dma_start3A_18 = tpu.memref_slice %arg7[%scan3A_17, %dma_start3A] : memref<80x128xi32, #tpu.memory_space<vmem>> -> memref<1x128xi32, #tpu.memory_space<vmem>>
      %dma_start3A_19 = tpu.memref_squeeze %dma_start3A_18 : memref<1x128xi32, #tpu.memory_space<vmem>> -> memref<128xi32, #tpu.memory_space<vmem>>
      %dma_start3A_20 = arith.constant 0 : i32
      %dma_start3A_21 = arith.constant 0 : i32
      %dma_start3A_22 = tpu.memref_slice %arg2[%dma_start3A_20, %dma_start3A_21] : memref<10112x128xf32, #tpu.memory_space<hbm>> -> memref<10112x128xf32, #tpu.memory_space<hbm>>
      tpu.enqueue_indirect_dma source(%dma_start3A_22 : memref<10112x128xf32, #tpu.memory_space<hbm>>) target(%arg9 : memref<128x128xf32, #tpu.memory_space<vmem>>) offsets(%dma_start3A_19 : memref<128xi32, #tpu.memory_space<vmem>>) semaphore(%arg11 : memref<!tpu.dma_semaphore, #tpu.memory_space<semaphore_mem>>)
      %dma_wait3A = arith.constant 0 : i32
      %dma_wait3A_23 = tpu.memref_slice %arg7[%scan3A_17, %dma_wait3A] : memref<80x128xi32, #tpu.memory_space<vmem>> -> memref<1x128xi32, #tpu.memory_space<vmem>>
      %dma_wait3A_24 = tpu.memref_squeeze %dma_wait3A_23 : memref<1x128xi32, #tpu.memory_space<vmem>> -> memref<128xi32, #tpu.memory_space<vmem>>
      %dma_wait3A_25 = arith.constant 0 : i32
      %dma_wait3A_26 = arith.constant 0 : i32
      %dma_wait3A_27 = tpu.memref_slice %arg2[%dma_wait3A_25, %dma_wait3A_26] : memref<10112x128xf32, #tpu.memory_space<hbm>> -> memref<10112x128xf32, #tpu.memory_space<hbm>>
      tpu.wait_indirect_dma semaphore(%arg11 : memref<!tpu.dma_semaphore, #tpu.memory_space<semaphore_mem>>) src(%dma_wait3A_27 : memref<10112x128xf32, #tpu.memory_space<hbm>>) dst(%arg9 : memref<128x128xf32, #tpu.memory_space<vmem>>)
      "tpu.region"() ({
        %run_scoped3A = tpu.sem_alloc : memref<!tpu.dma_semaphore, #tpu.memory_space<semaphore_mem>>
        %dma_start3A_28 = arith.constant 0 : i32
        %dma_start3A_29 = tpu.memref_slice %arg8[%scan3A_17, %dma_start3A_28] : memref<80x128xi32, #tpu.memory_space<vmem>> -> memref<1x128xi32, #tpu.memory_space<vmem>>
        %dma_start3A_30 = tpu.memref_squeeze %dma_start3A_29 : memref<1x128xi32, #tpu.memory_space<vmem>> -> memref<128xi32, #tpu.memory_space<vmem>>
        %dma_start3A_31 = arith.constant 0 : i32
        %dma_start3A_32 = arith.constant 0 : i32
        %dma_start3A_33 = tpu.memref_slice %arg10[%dma_start3A_31, %dma_start3A_32] : memref<10112x128xf32, #tpu.memory_space<vmem_shared>> -> memref<10112x128xf32, #tpu.memory_space<vmem_shared>>
        tpu.enqueue_indirect_dma source(%arg9 : memref<128x128xf32, #tpu.memory_space<vmem>>) target(%dma_start3A_33 : memref<10112x128xf32, #tpu.memory_space<vmem_shared>>) offsets(%dma_start3A_30 : memref<128xi32, #tpu.memory_space<vmem>>) semaphore(%run_scoped3A : memref<!tpu.dma_semaphore, #tpu.memory_space<semaphore_mem>>) {add = true}
        %dma_wait3A_34 = arith.constant 0 : i32
        %dma_wait3A_35 = tpu.memref_slice %arg8[%scan3A_17, %dma_wait3A_34] : memref<80x128xi32, #tpu.memory_space<vmem>> -> memref<1x128xi32, #tpu.memory_space<vmem>>
        %dma_wait3A_36 = tpu.memref_squeeze %dma_wait3A_35 : memref<1x128xi32, #tpu.memory_space<vmem>> -> memref<128xi32, #tpu.memory_space<vmem>>
        %dma_wait3A_37 = arith.constant 0 : i32
        %dma_wait3A_38 = arith.constant 0 : i32
        %dma_wait3A_39 = tpu.memref_slice %arg10[%dma_wait3A_37, %dma_wait3A_38] : memref<10112x128xf32, #tpu.memory_space<vmem_shared>> -> memref<10112x128xf32, #tpu.memory_space<vmem_shared>>
        tpu.wait_indirect_dma semaphore(%run_scoped3A : memref<!tpu.dma_semaphore, #tpu.memory_space<semaphore_mem>>) src(%arg9 : memref<128x128xf32, #tpu.memory_space<vmem>>) dst(%dma_wait3A_39 : memref<10112x128xf32, #tpu.memory_space<vmem_shared>>)
        tpu.yield
      }) : () -> ()
    }
    %scan3A_11 = arith.constant 80 : i32
    %barrier3A_12 = arith.constant 0 : index
    tpu.barrier barrier_id(%barrier3A_12)
    %mul3A_13 = arith.constant 632 : i32
    %mul3A_14 = arith.muli %arg1, %mul3A_13 : i32
    %mul3A_15 = arith.constant 632 : i32
    %mul3A_16 = arith.muli %arg1, %mul3A_15 : i32
    "tpu.region"() ({
      %run_scoped3A = tpu.sem_alloc : memref<!tpu.dma_semaphore, #tpu.memory_space<semaphore_mem>>
      %dma_start3A = arith.constant 0 : i32
      %dma_start3A_17 = tpu.memref_slice %arg6[%arg0, %mul3A_16, %dma_start3A] : memref<2x10112x128xf32, #tpu.memory_space<hbm>> -> memref<1x632x128xf32, #tpu.memory_space<hbm>>
      %dma_start3A_18 = tpu.memref_squeeze %dma_start3A_17 : memref<1x632x128xf32, #tpu.memory_space<hbm>> -> memref<632x128xf32, #tpu.memory_space<hbm>>
      %dma_start3A_19 = arith.constant 0 : i32
      %dma_start3A_20 = tpu.memref_slice %arg10[%mul3A_14, %dma_start3A_19] : memref<10112x128xf32, #tpu.memory_space<vmem_shared>> -> memref<632x128xf32, #tpu.memory_space<vmem_shared>>
      tpu.enqueue_dma source(%dma_start3A_20 : memref<632x128xf32, #tpu.memory_space<vmem_shared>>) target(%dma_start3A_18 : memref<632x128xf32, #tpu.memory_space<hbm>>) target_semaphore(%run_scoped3A : memref<!tpu.dma_semaphore, #tpu.memory_space<semaphore_mem>>)
      %dma_wait3A = arith.constant 0 : i32
      %dma_wait3A_21 = tpu.memref_slice %arg6[%arg0, %mul3A_16, %dma_wait3A] : memref<2x10112x128xf32, #tpu.memory_space<hbm>> -> memref<1x632x128xf32, #tpu.memory_space<hbm>>
      %dma_wait3A_22 = tpu.memref_squeeze %dma_wait3A_21 : memref<1x632x128xf32, #tpu.memory_space<hbm>> -> memref<632x128xf32, #tpu.memory_space<hbm>>
      %dma_wait3A_23 = arith.constant 0 : i32
      %dma_wait3A_24 = tpu.memref_slice %arg10[%mul3A_14, %dma_wait3A_23] : memref<10112x128xf32, #tpu.memory_space<vmem_shared>> -> memref<632x128xf32, #tpu.memory_space<vmem_shared>>
      tpu.wait_dma2 semaphore(%run_scoped3A : memref<!tpu.dma_semaphore, #tpu.memory_space<semaphore_mem>>) src(%dma_wait3A_24 : memref<632x128xf32, #tpu.memory_space<vmem_shared>>) dst(%dma_wait3A_22 : memref<632x128xf32, #tpu.memory_space<hbm>>)
      tpu.yield
    }) : () -> ()
    return
  }
}

module attributes {stable_mosaic.version = 14 : i64} {
  func.func @_tc1b_body(%arg0: memref<10112x128xf32, #tpu.memory_space<vmem>>, %arg1: memref<128x128xf32, #tpu.memory_space<vmem>>, %arg2: memref<2x10112x128xf32, #tpu.memory_space<vmem>>, %arg3: memref<10112x128xf32, #tpu.memory_space<vmem>>, %arg4: memref<10112x1xf32, #tpu.memory_space<vmem>>) attributes {dimension_semantics = [], scalar_prefetch = 0 : i64, scratch_operands = 0 : i64, tpu.core_type = #tpu.core_type<tc>} {
    %get3A = arith.constant 0 : index
    %get3A_0 = arith.constant 0 : index
    %get3A_1 = vector.load %arg0[%get3A, %get3A_0] : memref<10112x128xf32, #tpu.memory_space<vmem>>, vector<10112x128xf32>
    %get3A_2 = arith.constant 0 : index
    %get3A_3 = arith.constant 0 : index
    %get3A_4 = vector.load %arg1[%get3A_2, %get3A_3] : memref<128x128xf32, #tpu.memory_space<vmem>>, vector<128x128xf32>
    %dot_general3A = arith.constant dense<0.000000e+00> : vector<10112x128xf32>
    %dot_general3A_5 = tpu.matmul %get3A_1, %get3A_4, %dot_general3A {dimension_numbers = #tpu.dot_dimension_numbers<[1], [0], [0], [1], [0, 0, 1, 1], [], []>, transpose_lhs_hint = false} : vector<10112x128xf32>, vector<128x128xf32>, vector<10112x128xf32> -> vector<10112x128xf32>
    %get3A_6 = arith.constant 0 : index
    %get3A_7 = arith.constant 0 : index
    %get3A_8 = arith.constant 0 : index
    %get3A_9 = vector.load %arg2[%get3A_6, %get3A_7, %get3A_8] : memref<2x10112x128xf32, #tpu.memory_space<vmem>>, vector<2x10112x128xf32>
    %slice3A = vector.extract_strided_slice %get3A_9 {offsets = [0, 0, 0], sizes = [1, 10112, 128], strides = [1, 1, 1]} : vector<2x10112x128xf32> to vector<1x10112x128xf32>
    %squeeze3A = vector.shape_cast %slice3A : vector<1x10112x128xf32> to vector<10112x128xf32>
    %slice3A_10 = vector.extract_strided_slice %get3A_9 {offsets = [1, 0, 0], sizes = [1, 10112, 128], strides = [1, 1, 1]} : vector<2x10112x128xf32> to vector<1x10112x128xf32>
    %squeeze3A_11 = vector.shape_cast %slice3A_10 : vector<1x10112x128xf32> to vector<10112x128xf32>
    %add3A = arith.addf %squeeze3A, %squeeze3A_11 : vector<10112x128xf32>
    %slice3A_12 = vector.extract_strided_slice %add3A {offsets = [0, 0], sizes = [10112, 1], strides = [1, 1]} : vector<10112x128xf32> to vector<10112x1xf32>
    %add3A_13 = arith.constant 1.000000e+00 : f32
    %add3A_14 = vector.broadcast %add3A_13 : f32 to vector<10112x1xf32>
    %add3A_15 = arith.addf %slice3A_12, %add3A_14 : vector<10112x1xf32>
    %rsqrt3A = math.rsqrt %add3A_15 : vector<10112x1xf32>
    %mul3A = vector.broadcast %rsqrt3A : vector<10112x1xf32> to vector<10112x128xf32>
    %mul3A_16 = arith.mulf %mul3A, %dot_general3A_5 : vector<10112x128xf32>
    %swap3A = arith.constant 0 : index
    %swap3A_17 = arith.constant 0 : index
    %swap3A_18 = vector.load %arg3[%swap3A, %swap3A_17] : memref<10112x128xf32, #tpu.memory_space<vmem>>, vector<10112x128xf32>
    tpu.vector_store %arg3[%swap3A, %swap3A_17], %mul3A_16 {strides = array<i32>} : memref<10112x128xf32, #tpu.memory_space<vmem>>, vector<10112x128xf32>,
    %swap3A_19 = arith.constant 0 : index
    %swap3A_20 = arith.constant 0 : index
    %swap3A_21 = vector.load %arg4[%swap3A_19, %swap3A_20] : memref<10112x1xf32, #tpu.memory_space<vmem>>, vector<10112x1xf32>
    tpu.vector_store %arg4[%swap3A_19, %swap3A_20], %rsqrt3A {strides = array<i32>} : memref<10112x1xf32, #tpu.memory_space<vmem>>, vector<10112x1xf32>,
    return
  }
}

module attributes {stable_mosaic.version = 14 : i64} {
  func.func @_tc1a_body(%arg0: memref<10112x128xf32, #tpu.memory_space<vmem>>, %arg1: memref<10112x1xi32, #tpu.memory_space<vmem>>, %arg2: memref<128x128xf32, #tpu.memory_space<vmem>>, %arg3: memref<128x128xf32, #tpu.memory_space<vmem>>) attributes {dimension_semantics = [], scalar_prefetch = 0 : i64, scratch_operands = 0 : i64, tpu.core_type = #tpu.core_type<tc>} {
    %get3A = arith.constant 0 : index
    %get3A_0 = arith.constant 0 : index
    %get3A_1 = vector.load %arg0[%get3A, %get3A_0] : memref<10112x128xf32, #tpu.memory_space<vmem>>, vector<10112x128xf32>
    %get3A_2 = arith.constant 0 : index
    %get3A_3 = arith.constant 0 : index
    %get3A_4 = vector.load %arg1[%get3A_2, %get3A_3] : memref<10112x1xi32, #tpu.memory_space<vmem>>, vector<10112x1xi32>
    %iota3A = tpu.iota {dimensions = array<i32: 1>} : vector<10112x128xi32>
    %eq3A = vector.broadcast %get3A_4 : vector<10112x1xi32> to vector<10112x128xi32>
    %eq3A_5 = arith.cmpi eq, %eq3A, %iota3A : vector<10112x128xi32>
    %convert_element_type3A = arith.extui %eq3A_5 : vector<10112x128xi1> to vector<10112x128xi32>
    %convert_element_type3A_6 = arith.sitofp %convert_element_type3A : vector<10112x128xi32> to vector<10112x128xf32>
    %dot_general3A = arith.constant dense<0.000000e+00> : vector<128x128xf32>
    %dot_general3A_7 = tpu.matmul %convert_element_type3A_6, %get3A_1, %dot_general3A {dimension_numbers = #tpu.dot_dimension_numbers<[0], [0], [1], [1], [0, 1, 1, 1], [], []>, transpose_lhs_hint = false} : vector<10112x128xf32>, vector<10112x128xf32>, vector<128x128xf32> -> vector<128x128xf32>
    %broadcast_in_dim3A = arith.constant 1.000000e+00 : f32
    %broadcast_in_dim3A_8 = vector.broadcast %broadcast_in_dim3A : f32 to vector<10112x1xf32>
    %dot_general3A_9 = arith.constant dense<0.000000e+00> : vector<128x1xf32>
    %dot_general3A_10 = tpu.matmul %convert_element_type3A_6, %broadcast_in_dim3A_8, %dot_general3A_9 {dimension_numbers = #tpu.dot_dimension_numbers<[0], [0], [1], [1], [0, 1, 1, 1], [], []>, transpose_lhs_hint = false} : vector<10112x128xf32>, vector<10112x1xf32>, vector<128x1xf32> -> vector<128x1xf32>
    %reduce_sum3A = arith.constant dense<0.000000e+00> : vector<128xf32>
    %reduce_sum3A_11 = vector.multi_reduction <add>, %get3A_1, %reduce_sum3A [0] : vector<10112x128xf32> to vector<128xf32>
    %broadcast_in_dim3A_12 = vector.shape_cast %reduce_sum3A_11 : vector<128xf32> to vector<1x128xf32>
    %mul3A = arith.constant 9.99999974E-5 : f32
    %mul3A_13 = vector.broadcast %mul3A : f32 to vector<128x1xf32>
    %mul3A_14 = arith.mulf %dot_general3A_10, %mul3A_13 : vector<128x1xf32>
    %mul3A_15 = vector.broadcast %mul3A_14 : vector<128x1xf32> to vector<128x128xf32>
    %mul3A_16 = vector.broadcast %broadcast_in_dim3A_12 : vector<1x128xf32> to vector<128x128xf32>
    %mul3A_17 = arith.mulf %mul3A_15, %mul3A_16 : vector<128x128xf32>
    %gt3A = arith.constant 0.000000e+00 : f32
    %gt3A_18 = vector.broadcast %gt3A : f32 to vector<128x128xf32>
    %gt3A_19 = arith.cmpf ogt, %mul3A_17, %gt3A_18 : vector<128x128xf32>
    %sub3A = arith.subf %dot_general3A_7, %mul3A_17 : vector<128x128xf32>
    %integer_pow3A = arith.mulf %sub3A, %sub3A : vector<128x128xf32>
    %gt3A_20 = arith.constant 0.000000e+00 : f32
    %gt3A_21 = vector.broadcast %gt3A_20 : f32 to vector<128x128xf32>
    %gt3A_22 = arith.cmpf ogt, %mul3A_17, %gt3A_21 : vector<128x128xf32>
    %jit3A = arith.constant 1.000000e+00 : f32
    %broadcast_in_dim3A_23 = vector.broadcast %jit3A : f32 to vector<128x128xf32>
    %select_n3A = arith.select %gt3A_22, %mul3A_17, %broadcast_in_dim3A_23 : vector<128x128xi1>, vector<128x128xf32>
    %div3A = arith.divf %integer_pow3A, %select_n3A : vector<128x128xf32>
    %jit3A_24 = arith.constant 0.000000e+00 : f32
    %broadcast_in_dim3A_25 = vector.broadcast %jit3A_24 : f32 to vector<128x128xf32>
    %select_n3A_26 = arith.select %gt3A_19, %div3A, %broadcast_in_dim3A_25 : vector<128x128xi1>, vector<128x128xf32>
    %reduce_sum3A_27 = arith.constant dense<0.000000e+00> : vector<128xf32>
    %reduce_sum3A_28 = vector.multi_reduction <add>, %select_n3A_26, %reduce_sum3A_27 [0] : vector<128x128xf32> to vector<128xf32>
    %broadcast_in_dim3A_29 = vector.shape_cast %reduce_sum3A_28 : vector<128xf32> to vector<1x128xf32>
    %iota3A_30 = tpu.iota {dimensions = array<i32: 0>} : vector<128x128xi32>
    %iota3A_31 = tpu.iota {dimensions = array<i32: 1>} : vector<128x128xi32>
    %eq3A_32 = arith.cmpi eq, %iota3A_30, %iota3A_31 : vector<128x128xi32>
    %convert_element_type3A_33 = arith.extui %eq3A_32 : vector<128x128xi1> to vector<128x128xi32>
    %convert_element_type3A_34 = arith.sitofp %convert_element_type3A_33 : vector<128x128xi32> to vector<128x128xf32>
    %dot_general3A_35 = arith.constant dense<0.000000e+00> : vector<128x1xf32>
    %dot_general3A_36 = tpu.matmul %convert_element_type3A_34, %broadcast_in_dim3A_29, %dot_general3A_35 {dimension_numbers = #tpu.dot_dimension_numbers<[1], [1], [0], [0], [0, 0, 1, 0], [], []>, transpose_lhs_hint = false} : vector<128x128xf32>, vector<1x128xf32>, vector<128x1xf32> -> vector<128x1xf32>
    %iota3A_37 = tpu.iota {dimensions = array<i32: 0>} : vector<128x128xi32>
    %iota3A_38 = tpu.iota {dimensions = array<i32: 1>} : vector<128x128xi32>
    %gt3A_39 = vector.broadcast %dot_general3A_36 : vector<128x1xf32> to vector<128x128xf32>
    %gt3A_40 = vector.broadcast %broadcast_in_dim3A_29 : vector<1x128xf32> to vector<128x128xf32>
    %gt3A_41 = arith.cmpf ogt, %gt3A_39, %gt3A_40 : vector<128x128xf32>
    %convert_element_type3A_42 = arith.extui %gt3A_41 : vector<128x128xi1> to vector<128x128xi32>
    %convert_element_type3A_43 = arith.sitofp %convert_element_type3A_42 : vector<128x128xi32> to vector<128x128xf32>
    %eq3A_44 = vector.broadcast %dot_general3A_36 : vector<128x1xf32> to vector<128x128xf32>
    %eq3A_45 = vector.broadcast %broadcast_in_dim3A_29 : vector<1x128xf32> to vector<128x128xf32>
    %eq3A_46 = arith.cmpf oeq, %eq3A_44, %eq3A_45 : vector<128x128xf32>
    %lt3A = arith.cmpi slt, %iota3A_37, %iota3A_38 : vector<128x128xi32>
    %and3A = arith.andi %eq3A_46, %lt3A : vector<128x128xi1>
    %convert_element_type3A_47 = arith.extui %and3A : vector<128x128xi1> to vector<128x128xi32>
    %convert_element_type3A_48 = arith.sitofp %convert_element_type3A_47 : vector<128x128xi32> to vector<128x128xf32>
    %add3A = arith.addf %convert_element_type3A_43, %convert_element_type3A_48 : vector<128x128xf32>
    %reduce_sum3A_49 = arith.constant dense<0.000000e+00> : vector<128xf32>
    %reduce_sum3A_50 = vector.multi_reduction <add>, %add3A, %reduce_sum3A_49 [0] : vector<128x128xf32> to vector<128xf32>
    %broadcast_in_dim3A_51 = vector.shape_cast %reduce_sum3A_50 : vector<128xf32> to vector<1x128xf32>
    %lt3A_52 = arith.constant 1.000000e+02 : f32
    %lt3A_53 = vector.broadcast %lt3A_52 : f32 to vector<1x128xf32>
    %lt3A_54 = arith.cmpf olt, %broadcast_in_dim3A_51, %lt3A_53 : vector<1x128xf32>
    %convert_element_type3A_55 = arith.extui %lt3A_54 : vector<1x128xi1> to vector<1x128xi32>
    %convert_element_type3A_56 = arith.sitofp %convert_element_type3A_55 : vector<1x128xi32> to vector<1x128xf32>
    %dot_general3A_57 = arith.constant dense<0.000000e+00> : vector<128x1xf32>
    %dot_general3A_58 = tpu.matmul %convert_element_type3A_34, %convert_element_type3A_56, %dot_general3A_57 {dimension_numbers = #tpu.dot_dimension_numbers<[1], [1], [0], [0], [0, 0, 1, 0], [], []>, transpose_lhs_hint = false} : vector<128x128xf32>, vector<1x128xf32>, vector<128x1xf32> -> vector<128x1xf32>
    %lt3A_59 = arith.cmpi slt, %iota3A_38, %iota3A_37 : vector<128x128xi32>
    %convert_element_type3A_60 = arith.extui %lt3A_59 : vector<128x128xi1> to vector<128x128xi32>
    %convert_element_type3A_61 = arith.sitofp %convert_element_type3A_60 : vector<128x128xi32> to vector<128x128xf32>
    %dot_general3A_62 = arith.constant dense<0.000000e+00> : vector<128x1xf32>
    %dot_general3A_63 = tpu.matmul %convert_element_type3A_61, %dot_general3A_58, %dot_general3A_62 {dimension_numbers = #tpu.dot_dimension_numbers<[1], [0], [0], [1], [0, 0, 1, 1], [], []>, transpose_lhs_hint = false} : vector<128x128xf32>, vector<128x1xf32>, vector<128x1xf32> -> vector<128x1xf32>
    %iota3A_64 = tpu.iota {dimensions = array<i32: 1>} : vector<128x128xi32>
    %convert_element_type3A_65 = arith.sitofp %iota3A_64 : vector<128x128xi32> to vector<128x128xf32>
    %eq3A_66 = vector.broadcast %dot_general3A_63 : vector<128x1xf32> to vector<128x128xf32>
    %eq3A_67 = arith.cmpf oeq, %eq3A_66, %convert_element_type3A_65 : vector<128x128xf32>
    %convert_element_type3A_68 = arith.extui %eq3A_67 : vector<128x128xi1> to vector<128x128xi32>
    %convert_element_type3A_69 = arith.sitofp %convert_element_type3A_68 : vector<128x128xi32> to vector<128x128xf32>
    %mul3A_70 = vector.broadcast %dot_general3A_58 : vector<128x1xf32> to vector<128x128xf32>
    %mul3A_71 = arith.mulf %mul3A_70, %convert_element_type3A_69 : vector<128x128xf32>
    %get3A_72 = arith.constant 0 : index
    %get3A_73 = arith.constant 0 : index
    %get3A_74 = vector.load %arg2[%get3A_72, %get3A_73] : memref<128x128xf32, #tpu.memory_space<vmem>>, vector<128x128xf32>
    %dot_general3A_75 = arith.constant dense<0.000000e+00> : vector<128x128xf32>
    %dot_general3A_76 = tpu.matmul %mul3A_71, %get3A_74, %dot_general3A_75 {dimension_numbers = #tpu.dot_dimension_numbers<[1], [0], [0], [1], [0, 0, 1, 1], [], []>, transpose_lhs_hint = false} : vector<128x128xf32>, vector<128x128xf32>, vector<128x128xf32> -> vector<128x128xf32>
    %swap3A = arith.constant 0 : index
    %swap3A_77 = arith.constant 0 : index
    %swap3A_78 = vector.load %arg3[%swap3A, %swap3A_77] : memref<128x128xf32, #tpu.memory_space<vmem>>, vector<128x128xf32>
    tpu.vector_store %arg3[%swap3A, %swap3A_77], %dot_general3A_76 {strides = array<i32>} : memref<128x128xf32, #tpu.memory_space<vmem>>, vector<128x128xf32>,
    return
  }
}

module attributes {stable_mosaic.version = 14 : i64} {
  func.func @_tc2_body(%arg0: memref<2x10112x128xf32, #tpu.memory_space<vmem>>, %arg1: memref<10112x128xf32, #tpu.memory_space<vmem>>, %arg2: memref<10112x1xf32, #tpu.memory_space<vmem>>, %arg3: memref<128x128xf32, #tpu.memory_space<vmem>>, %arg4: memref<1x128xf32, #tpu.memory_space<vmem>>, %arg5: memref<10112x128xf32, #tpu.memory_space<vmem>>) attributes {dimension_semantics = [], scalar_prefetch = 0 : i64, scratch_operands = 0 : i64, tpu.core_type = #tpu.core_type<tc>} {
    %get3A = arith.constant 0 : index
    %get3A_0 = arith.constant 0 : index
    %get3A_1 = arith.constant 0 : index
    %get3A_2 = vector.load %arg0[%get3A, %get3A_0, %get3A_1] : memref<2x10112x128xf32, #tpu.memory_space<vmem>>, vector<2x10112x128xf32>
    %get3A_3 = arith.constant 0 : index
    %get3A_4 = arith.constant 0 : index
    %get3A_5 = vector.load %arg2[%get3A_3, %get3A_4] : memref<10112x1xf32, #tpu.memory_space<vmem>>, vector<10112x1xf32>
    %slice3A = vector.extract_strided_slice %get3A_2 {offsets = [0, 0, 0], sizes = [1, 10112, 128], strides = [1, 1, 1]} : vector<2x10112x128xf32> to vector<1x10112x128xf32>
    %squeeze3A = vector.shape_cast %slice3A : vector<1x10112x128xf32> to vector<10112x128xf32>
    %slice3A_6 = vector.extract_strided_slice %get3A_2 {offsets = [1, 0, 0], sizes = [1, 10112, 128], strides = [1, 1, 1]} : vector<2x10112x128xf32> to vector<1x10112x128xf32>
    %squeeze3A_7 = vector.shape_cast %slice3A_6 : vector<1x10112x128xf32> to vector<10112x128xf32>
    %add3A = arith.addf %squeeze3A, %squeeze3A_7 : vector<10112x128xf32>
    %get3A_8 = arith.constant 0 : index
    %get3A_9 = arith.constant 0 : index
    %get3A_10 = vector.load %arg1[%get3A_8, %get3A_9] : memref<10112x128xf32, #tpu.memory_space<vmem>>, vector<10112x128xf32>
    %add3A_11 = arith.addf %add3A, %get3A_10 : vector<10112x128xf32>
    %mul3A = vector.broadcast %get3A_5 : vector<10112x1xf32> to vector<10112x128xf32>
    %mul3A_12 = arith.mulf %mul3A, %add3A_11 : vector<10112x128xf32>
    %get3A_13 = arith.constant 0 : index
    %get3A_14 = arith.constant 0 : index
    %get3A_15 = vector.load %arg4[%get3A_13, %get3A_14] : memref<1x128xf32, #tpu.memory_space<vmem>>, vector<1x128xf32>
    %add3A_16 = vector.broadcast %get3A_15 : vector<1x128xf32> to vector<10112x128xf32>
    %add3A_17 = arith.addf %mul3A_12, %add3A_16 : vector<10112x128xf32>
    %get3A_18 = arith.constant 0 : index
    %get3A_19 = arith.constant 0 : index
    %get3A_20 = vector.load %arg3[%get3A_18, %get3A_19] : memref<128x128xf32, #tpu.memory_space<vmem>>, vector<128x128xf32>
    %dot_general3A = arith.constant dense<0.000000e+00> : vector<10112x128xf32>
    %dot_general3A_21 = tpu.matmul %add3A_17, %get3A_20, %dot_general3A {dimension_numbers = #tpu.dot_dimension_numbers<[1], [0], [0], [1], [0, 0, 1, 1], [], []>, transpose_lhs_hint = false} : vector<10112x128xf32>, vector<128x128xf32>, vector<10112x128xf32> -> vector<10112x128xf32>
    %mul3A_22 = vector.broadcast %get3A_5 : vector<10112x1xf32> to vector<10112x128xf32>
    %mul3A_23 = arith.mulf %mul3A_22, %dot_general3A_21 : vector<10112x128xf32>
    %swap3A = arith.constant 0 : index
    %swap3A_24 = arith.constant 0 : index
    %swap3A_25 = vector.load %arg5[%swap3A, %swap3A_24] : memref<10112x128xf32, #tpu.memory_space<vmem>>, vector<10112x128xf32>
    tpu.vector_store %arg5[%swap3A, %swap3A_24], %mul3A_23 {strides = array<i32>} : memref<10112x128xf32, #tpu.memory_space<vmem>>, vector<10112x128xf32>,
    return
  }
}

module attributes {stable_mosaic.version = 14 : i64} {
  func.func @_tc3_body(%arg0: memref<2x10112x128xf32, #tpu.memory_space<vmem>>, %arg1: memref<10112x128xf32, #tpu.memory_space<vmem>>, %arg2: memref<10112x1xf32, #tpu.memory_space<vmem>>, %arg3: memref<1x128xf32, #tpu.memory_space<vmem>>, %arg4: memref<128x128xf32, #tpu.memory_space<vmem>>, %arg5: memref<1x128xf32, #tpu.memory_space<vmem>>, %arg6: memref<128x1xf32, #tpu.memory_space<vmem>>, %arg7: memref<1x1xf32, #tpu.memory_space<vmem>>, %arg8: memref<1x10112xf32, #tpu.memory_space<vmem>>) attributes {dimension_semantics = [], scalar_prefetch = 0 : i64, scratch_operands = 0 : i64, tpu.core_type = #tpu.core_type<tc>} {
    %get3A = arith.constant 0 : index
    %get3A_0 = arith.constant 0 : index
    %get3A_1 = arith.constant 0 : index
    %get3A_2 = vector.load %arg0[%get3A, %get3A_0, %get3A_1] : memref<2x10112x128xf32, #tpu.memory_space<vmem>>, vector<2x10112x128xf32>
    %get3A_3 = arith.constant 0 : index
    %get3A_4 = arith.constant 0 : index
    %get3A_5 = vector.load %arg2[%get3A_3, %get3A_4] : memref<10112x1xf32, #tpu.memory_space<vmem>>, vector<10112x1xf32>
    %slice3A = vector.extract_strided_slice %get3A_2 {offsets = [0, 0, 0], sizes = [1, 10112, 128], strides = [1, 1, 1]} : vector<2x10112x128xf32> to vector<1x10112x128xf32>
    %squeeze3A = vector.shape_cast %slice3A : vector<1x10112x128xf32> to vector<10112x128xf32>
    %slice3A_6 = vector.extract_strided_slice %get3A_2 {offsets = [1, 0, 0], sizes = [1, 10112, 128], strides = [1, 1, 1]} : vector<2x10112x128xf32> to vector<1x10112x128xf32>
    %squeeze3A_7 = vector.shape_cast %slice3A_6 : vector<1x10112x128xf32> to vector<10112x128xf32>
    %add3A = arith.addf %squeeze3A, %squeeze3A_7 : vector<10112x128xf32>
    %get3A_8 = arith.constant 0 : index
    %get3A_9 = arith.constant 0 : index
    %get3A_10 = vector.load %arg1[%get3A_8, %get3A_9] : memref<10112x128xf32, #tpu.memory_space<vmem>>, vector<10112x128xf32>
    %add3A_11 = arith.addf %add3A, %get3A_10 : vector<10112x128xf32>
    %mul3A = vector.broadcast %get3A_5 : vector<10112x1xf32> to vector<10112x128xf32>
    %mul3A_12 = arith.mulf %mul3A, %add3A_11 : vector<10112x128xf32>
    %get3A_13 = arith.constant 0 : index
    %get3A_14 = arith.constant 0 : index
    %get3A_15 = vector.load %arg3[%get3A_13, %get3A_14] : memref<1x128xf32, #tpu.memory_space<vmem>>, vector<1x128xf32>
    %add3A_16 = vector.broadcast %get3A_15 : vector<1x128xf32> to vector<10112x128xf32>
    %add3A_17 = arith.addf %mul3A_12, %add3A_16 : vector<10112x128xf32>
    %get3A_18 = arith.constant 0 : index
    %get3A_19 = arith.constant 0 : index
    %get3A_20 = vector.load %arg4[%get3A_18, %get3A_19] : memref<128x128xf32, #tpu.memory_space<vmem>>, vector<128x128xf32>
    %dot_general3A = arith.constant dense<0.000000e+00> : vector<10112x128xf32>
    %dot_general3A_21 = tpu.matmul %add3A_17, %get3A_20, %dot_general3A {dimension_numbers = #tpu.dot_dimension_numbers<[1], [0], [0], [1], [0, 0, 1, 1], [], []>, transpose_lhs_hint = false} : vector<10112x128xf32>, vector<128x128xf32>, vector<10112x128xf32> -> vector<10112x128xf32>
    %get3A_22 = arith.constant 0 : index
    %get3A_23 = arith.constant 0 : index
    %get3A_24 = vector.load %arg5[%get3A_22, %get3A_23] : memref<1x128xf32, #tpu.memory_space<vmem>>, vector<1x128xf32>
    %add3A_25 = vector.broadcast %get3A_24 : vector<1x128xf32> to vector<10112x128xf32>
    %add3A_26 = arith.addf %dot_general3A_21, %add3A_25 : vector<10112x128xf32>
    %max3A = arith.constant 0.000000e+00 : f32
    %max3A_27 = vector.broadcast %max3A : f32 to vector<10112x128xf32>
    %max3A_28 = arith.maximumf %add3A_26, %max3A_27 : vector<10112x128xf32>
    %get3A_29 = arith.constant 0 : index
    %get3A_30 = arith.constant 0 : index
    %get3A_31 = vector.load %arg6[%get3A_29, %get3A_30] : memref<128x1xf32, #tpu.memory_space<vmem>>, vector<128x1xf32>
    %dot_general3A_32 = arith.constant dense<0.000000e+00> : vector<1x10112xf32>
    %dot_general3A_33 = tpu.matmul %get3A_31, %max3A_28, %dot_general3A_32 {dimension_numbers = #tpu.dot_dimension_numbers<[0], [1], [1], [0], [0, 1, 1, 0], [], []>, transpose_lhs_hint = false} : vector<128x1xf32>, vector<10112x128xf32>, vector<1x10112xf32> -> vector<1x10112xf32>
    %get3A_34 = arith.constant 0 : index
    %get3A_35 = arith.constant 0 : index
    %get3A_36 = vector.load %arg7[%get3A_34, %get3A_35] : memref<1x1xf32, #tpu.memory_space<vmem>>, vector<1x1xf32>
    %add3A_37 = vector.broadcast %get3A_36 : vector<1x1xf32> to vector<1x10112xf32>
    %add3A_38 = arith.addf %dot_general3A_33, %add3A_37 : vector<1x10112xf32>
    %swap3A = arith.constant 0 : index
    %swap3A_39 = arith.constant 0 : index
    %swap3A_40 = vector.load %arg8[%swap3A, %swap3A_39] : memref<1x10112xf32, #tpu.memory_space<vmem>>, vector<1x10112xf32>
    tpu.vector_store %arg8[%swap3A, %swap3A_39], %add3A_38 {strides = array<i32>} : memref<1x10112xf32, #tpu.memory_space<vmem>>, vector<1x10112xf32>,
    return
  }
}

</mosaic_0001>

<sc_bundles>
// kernel: kernel.12.cloned.1.call-start
scs
__scs_entry_jumppad:
0x0: {  	(pc) =	sbr.rel $0x88, $3  }
0x1: {  	(tag) =	ssettag $0x0;
	lr =	simm.s32 $0x1  }
0x2: {  	[smem:$0x3F96] =	sst lr;
	_ =	strace $0xD0000000  }
0x3: {  	_ = 	snop  }
0x4: {  	_ = 	snop  }
0x5: {  	_ = 	snop  }
0x6: {  	_ = 	snop  }
0x7: {  	_ = 	snop  }
__scs_overlays_trampoline_lowered:
0x8: {  	[smem:$0x3FA5] =	sst s0  }
0x9: {  	[smem:$0x3FA6] =	sst s1  }
0xa: {  	[smem:$0x3FA7] =	sst s2  }
0xb: {  	[smem:$0x3FA8] =	sst s3  }
0xc: {  	[smem:$0x3FA9] =	sst s4  }
0xd: {  	[smem:$0x3FAA] =	sst s5  }
0xe: {  	[smem:$0x3FAB] =	sst s6  }
0xf: {  	[smem:$0x3FAC] =	sst s7  }
0x10: {  	[smem:$0x3FAD] =	sst s8  }
0x11: {  	[smem:$0x3FAE] =	sst s9;
	s0 =	simm.s32 @!p0 $0x0  }
0x12: {  	s1 =	sld [smem:$0x3F94];
	s0 =	simm.s32 @p0 $0x1  }
0x13: {  	[smem:$0x3FAF] =	sst s0;
	s0 =	simm.s32 @!p1 $0x0  }
0x14: {  	s2 =	sld [smem:$0x3F93];
	s0 =	simm.s32 @p1 $0x1  }
0x15: {  	[smem:$0x3FB0] =	sst s0;
	s0 =	simm.s32 @!p2 $0x0  }
0x16: {  	s3 =	sld [smem:$0x3FDB];
	s0 =	simm.s32 @p2 $0x1  }
0x17: {  	s4 =	simm.s32 $0x1BF5;
	[smem:$0x3FB2] =	sst s0  }
0x18: {  	s0 =	sld [smem:$0x3F95];
	_ =	swait.ge [sflag:s4], $0x0  }
0x19: {  	s7 =	sld [smem:$0x3F96]  }
0x1a: {  	s8 =	sadd.s32 $0xFFFFE003, lr  }
0x1b: {  	s9 =	sadd.s32 $0xFFFFFEF7, lr;
	s5 =	simm.s32 $0xFFFFFFFF;
	p2 =	slt.u32 s8, $0xFFFFF086  }
0x1c: {  	p1 =	slt.u32 s9, $0xF7A;
	s5 =	simm.s32 @!p2 $0x0  }
0x1d: {  	s5 =	simm.s32 @p1 $0x1;
	p0 =	seq.s32 s7, s2  }
0x1e: {  	s7 =	smul.u32 @!p0 $0xF7A, s2;
	p2 =	seq.s32 @!p0 s5, $0x0  }
0x1f: {  	s9 =	smul.u32 $0xF7A, s1;
	s8 =	simm.s32 @!p0 $0x1BF5;
	p2 =	por !p2, p0  }
0x20: {  	[sflag:s8] =	ssyncset.s32 @!p0 $0xFFFFF086;
	s6 =	sadd.s32 @!p0 s3, s7;
	s7 =	simm.s32 @!p0 $0x108  }
0x21: {  	s3 =	sadd.s32 s3, s9;
	s6 =	sadd.s32 @!p0 $0x88, s6;
	s7 =	simm.s32 @p2 $0x1082  }
0x22: {  	[simem:s7], [sflag:s8] =	dma.local @!p0 [hbm:s6], $0xF7A  }
0x23: {  	s9 =	sor.u32 $0xD0000000, s2;
	s6 =	simm.s32 $0x108;
	_ =	swait.ge @!p0 [sflag:s8], $0x0  }
0x24: {  	s3 =	sadd.s32 $0x88, s3;
	s6 =	simm.s32 @!p1 $0x1082;
	[sflag:s4] =	ssyncset.s32 $0xFFFFF086  }
0x25: {  	[simem:s6], [sflag:s4] =	dma.local [hbm:s3], $0xF7A  }
0x26: {  	[smem:$0x3F96] =	sst s1;
	(tag) =	ssettag s2;
	_ =	strace s9  }
0x27: {  	s1 =	sld [smem:$0x3FA6]  }
0x28: {  	s2 =	sld [smem:$0x3FA7]  }
0x29: {  	s4 =	sld [smem:$0x3FA9]  }
0x2a: {  	p0 =	seq.s32 s5, $0x0;
	s5 =	sld [smem:$0x3FAA]  }
0x2b: {  	s6 =	sld [smem:$0x3FAB]  }
0x2c: {  	s7 =	sld [smem:$0x3FAC]  }
0x2d: {  	s3 =	simm.s32 $0x108;
	s8 =	sld [smem:$0x3FAD]  }
0x2e: {  	s3 =	simm.s32 @!p0 $0x1082;
	s9 =	sld [smem:$0x3FAE]  }
0x2f: {  	lr =	sadd.s32 s0, s3;
	s0 =	sld [smem:$0x3FA5]  }
0x30: {  	s3 =	sld [smem:$0x3FA8]  }
0x31: {  	[smem:$0x3FB1] =	sst s10  }
0x32: {  	s10 =	sld [smem:$0x3FAF];
	_ =	sdelay $0x3  }
0x33: {  	p0 =	seq.s32 s10, $0x1;
	s10 =	sld [smem:$0x3FB1];
	_ =	sdelay $0x3  }
0x34: {  	[smem:$0x3FB1] =	sst s10  }
0x35: {  	s10 =	sld [smem:$0x3FB0];
	_ =	sdelay $0x3  }
0x36: {  	p1 =	seq.s32 s10, $0x1;
	s10 =	sld [smem:$0x3FB1];
	_ =	sdelay $0x3  }
0x37: {  	[smem:$0x3FB1] =	sst s10  }
0x38: {  	s10 =	sld [smem:$0x3FB2]  }
0x39: {  	_ = 	snop;
	(pc) =	sbr.ind lr, $3  }
0x3a: {  	_ = 	snop  }
0x3b: {  	_ = 	snop  }
0x3c: {  	p2 =	seq.s32 s10, $0x1;
	s10 =	sld [smem:$0x3FB1]  }
0x3d: {  	_ =	shalt  }
0x3e: {  	_ =	shalt  }
0x3f: {  	_ =	shalt  }
0x40: {  	_ =	shalt  }
0x41: {  	_ =	shalt  }
0x42: {  	_ =	shalt  }
0x43: {  	_ =	shalt  }
0x44: {  	_ =	shalt  }
0x45: {  	_ =	shalt  }
0x46: {  	_ =	shalt  }
0x47: {  	_ =	shalt  }
0x48: {  	_ =	shalt  }
0x49: {  	_ =	shalt  }
0x4a: {  	_ =	shalt  }
0x4b: {  	_ =	shalt  }
0x4c: {  	_ =	shalt  }
0x4d: {  	_ =	shalt  }
0x4e: {  	_ =	shalt  }
0x4f: {  	_ =	shalt  }
0x50: {  	_ =	shalt  }
0x51: {  	_ =	shalt  }
0x52: {  	_ =	shalt  }
0x53: {  	_ =	shalt  }
0x54: {  	_ =	shalt  }
0x55: {  	_ =	shalt  }
0x56: {  	_ =	shalt  }
0x57: {  	_ =	shalt  }
0x58: {  	_ =	shalt  }
0x59: {  	_ =	shalt  }
0x5a: {  	_ =	shalt  }
0x5b: {  	_ =	shalt  }
0x5c: {  	_ =	shalt  }
0x5d: {  	_ =	shalt  }
0x5e: {  	_ =	shalt  }
0x5f: {  	_ =	shalt  }
0x60: {  	_ =	shalt  }
0x61: {  	_ =	shalt  }
0x62: {  	_ =	shalt  }
0x63: {  	_ =	shalt  }
0x64: {  	_ =	shalt  }
0x65: {  	_ =	shalt  }
0x66: {  	_ =	shalt  }
0x67: {  	_ =	shalt  }
0x68: {  	_ =	shalt  }
0x69: {  	_ =	shalt  }
0x6a: {  	_ =	shalt  }
0x6b: {  	_ =	shalt  }
0x6c: {  	_ =	shalt  }
0x6d: {  	_ =	shalt  }
0x6e: {  	_ =	shalt  }
0x6f: {  	_ =	shalt  }
0x70: {  	_ =	shalt  }
0x71: {  	_ =	shalt  }
0x72: {  	_ =	shalt  }
0x73: {  	_ =	shalt  }
0x74: {  	_ =	shalt  }
0x75: {  	_ =	shalt  }
0x76: {  	_ =	shalt  }
0x77: {  	_ =	shalt  }
0x78: {  	_ =	shalt  }
0x79: {  	_ =	shalt  }
0x7a: {  	_ =	shalt  }
0x7b: {  	_ =	shalt  }
0x7c: {  	_ =	shalt  }
0x7d: {  	_ =	shalt  }
0x7e: {  	_ =	shalt  }
0x7f: {  	_ =	shalt  }
0x80: {  	_ =	shalt  }
0x81: {  	_ =	shalt  }
0x82: {  	_ =	shalt  }
0x83: {  	_ =	shalt  }
0x84: {  	_ =	shalt  }
0x85: {  	_ =	shalt  }
0x86: {  	_ =	shalt  }
0x87: {  	_ =	shalt  }
.Lfunc_end0:
.L_simem_size_0:
called_computation.1_lowered:
.L_overlay_start_0:
0x88: {  	s2 =	sld [smem:$0x3FD9]  }
0x89: {  	s3 =	sld [smem:$0x3FFE];
	_ =	sdelay $0x1  }
0x8a: {  	s1 =	srdreg.scid  }
0x8b: {  	s0 =	sand.u32 $0x1, s1  }
0x8c: {  	s16 =	sshll.u32 s0, $0xA;
	s2 =	sadd.s32 s3, s2  }
0x8d: {  	s2 =	sadd.s32 s2, s16  }
0x8e: {  	[smem:$0x3FBD] =	sst s2  }
0x8f: {  	_ = 	snop  }
0x90: {  	(tm) =	ssettm $0x1  }
0x91: {  	s17 =	sld [smem:$0x3FFB];
	_ =	sdelay $0x3  }
0x92: {  	_ =	strace s17  }
0x93: {  	s2 =	sld [smem:$0x3FFC];
	_ =	sdelay $0x3  }
0x94: {  	_ =	strace s2  }
0x95: {  	s2 =	sld [smem:$0x3FFD];
	_ =	sdelay $0x3  }
0x96: {  	_ =	strace s2  }
0x97: {  	_ =	strace $0x8FFFFFFF  }
0x98: {  	s18 =	sld [smem:$0x3FDB];
	_ =	sdelay $0x1  }
0x99: {  	s19 =	simm.s32 $_scs_section_size  }
0x9a: {  	s4 =	simm.s32 $_size__tile_overlayer_lowered;
	s5 =	simm.s32 $_tile_overlayer_lowered  }
0x9b: {  	s22 =	simm.s32 $0x1BFF;
	s21 =	sshll.u32 s5, $0x1;
	s2 =	sadd.s32 s19, s18  }
0x9c: {  	s6 =	simm.s32 $0x0;
	s20 =	sshll.u32 s4, $0x1;
	s4 =	sadd.s32 s21, s2  }
0x9d: {  	[timem:s6], [sflag:s22] =	dma.local [hbm:s4], s20  }
0x9e: {  	_ =	swait.ge [sflag:s22], s20  }
0x9f: {  	s3 =	ssub.s32 $0x0, s20;
	[sflag:s22] =	ssyncset.done $0x0  }
0xa0: {  	[sflag:s22] =	ssyncadd.s32 s3;
	_ =	sdelay $0x1  }
0xa1: {  	s23 =	simm.s32 $0x1B8B  }
0xa2: {  	_ =	swait.ge [sflag:s23], $0x1  }
0xa3: {  	[sflag:s23] =	ssyncset.done $0x0  }
0xa4: {  	s25 =	simm.s32 $0x1B8E;
	s24 =	sld [smem:$0x3FFE];
	[sflag:s23] =	ssyncadd.s32 $0xFFFFFFFF  }
0xa5: {  	s26 =	simm.s32 $execute0_lowered;
	[smem:$0x3FD2] =	sst s25  }
0xa6: {  	s4 =	sshll.u32 s26, $0x1;
	_ =	strace $0x80000049;
	[dreg:$0x1] =	wrdreg $0xFFFFFFFF  }
0xa7: {  	s28 =	simm.s32 $_size_execute0_lowered;
	s2 =	sadd.s32 s2, s4;
	[dreg:$0x0] =	wrdreg $0x0  }
0xa8: {  	s4 =	sshll.u32 s28, $0x1;
	[dreg:$0x2] =	wrdreg s2  }
0xa9: {  	[dreg:$0x3] =	wrdreg s4  }
0xaa: {  	[dreg:$0x4] =	wrdreg $0xC0  }
0xab: {  	_ =	task [dreg:s6], $0x5FFFF  }
0xac: {  	[dreg:$0x1] =	wrdreg $0xFFFFFFFF  }
0xad: {  	[dreg:$0x0] =	wrdreg $0x60  }
0xae: {  	[dreg:$0x2] =	wrdreg s24  }
0xaf: {  	[dreg:$0x3] =	wrdreg $0x90000  }
0xb0: {  	[dreg:$0x4] =	wrdreg $0x9  }
0xb1: {  	_ =	task.clear_ibuf [dreg:s6], $0x5FFFF;
	_ =	strace $0x90000049  }
0xb2: {  	s29 =	simm.s32 $0x9;
	_ =	strace $0x8000004B  }
0xb3: {  	_ =	swait.ge [sflag:s29], $0x1  }
0xb4: {  	[sflag:s29] =	ssyncadd.s32 $0xFFFFFFFF  }
0xb5: {  	_ =	strace $0x9000004B  }
0xb6: {  	_ =	sfence  }
0xb7: {  	s30 =	sld [smem:$0x0];
	_ =	sdelay $0x2  }
0xb8: {  	s31 =	sshll.u32 s1, $0xD;
	s1 =	sshrl.u32 s1, $0x2  }
0xb9: {  	s3 =	sand.u32 $0x4000, s31;
	s1 =	sadd.s32 s1, s30  }
0xba: {  	s0 =	sor.u32 s3, s0;
	s1 =	sshll.u32 s1, $0x11  }
0xbb: {  	s0 =	sor.u32 s1, s0  }
0xbc: {  	s0 =	sadd.s32 $0x8F2B, s0  }
0xbd: {  	[sflag:s0] =	ssyncadd.remote.s32 $0x1  }
0xbe: {  	_ =	sfence.sel $0xFFFF  }
0xbf: {  	[dreg:$0x0] =	wrdreg $0xFFFFFFFF;
	(pc) =	sbr.abs _section_cstart, $3  }
0xc0: {  	[dreg:$0x1] =	wrdreg $0xFFFFFFFF  }
0xc1: {  	_ =	task.clear_ibuf [dreg:s6], $0x2FFFF;
	_ =	strace $0x9FFFFFFF  }
0xc2: {  	(tm) =	ssettm $0x7FFFFFFF  }
0xc3: {  	_ =	shalt  }
tec
execute0_lowered:
.L_overlay_start_1:
0x0: {  	(tag) =	ssettag $0x1  }
0x1: {  	s0 =	srdreg.scid;
	s6 =	rddreg [dreg:$0x0]  }
0x2: {  	s2 =	rddreg [dreg:$0x1];
	s3 =	simm.s32 $0x0;
	s14 =	simm.s32 $0x80  }
0x3: {  	s15 =	simm.s32 $0x5000;
	s5 =	sand.u32 $0x1, s0;
	s0 =	stileid.u32  }
0x4: {  	s16 =	simm.s32 $0x1;
	s17 =	simm.s32 $0x0;
	s8 =	smul.u32 $0x13C00, s0  }
0x5: {  	[smem:$0x7FF] =	sst s3;
	s1 =	sshll.u32 s5, $0x4;
	s9 =	smul.u32 $0x13C000, s5  }
0x6: {  	s5 =	ssub.s32 $0x2, s5;
	s29 =	smul.u32 $0x4F000, s0;
	s31 =	sshll.u32 s0, $0x6  }
0x7: {  	s4 =	sor.u32 s0, s1;
	s1 =	rddreg [dreg:$0x2];
	_ =	strace $0x8000004A  }
0x8: {  	s11 =	sshrl.u32 s5, $0x1;
	s7 =	smul.u32 $0x500, s4;
	s4 =	sadd.s32 $0x3EA00, s6  }
0x9: {  	s28 =	sshrl.u32 s8, $0x3;
	s8 =	sadd.s32 s8, s9;
	s30 =	sshrl.u32 s29, $0x2  }
0xa: {  	s11 =	ssub.s32 s5, s11;
	s8 =	sshrl.u32 s8, $0x3;
	s13 =	sadd.s32 s30, s2  }
0xb: {  	s10 =	sadd.s32 s7, s6;
	s7 =	sadd.s32 s28, s6;
	s12 =	sadd.s32 s8, s6  }
0xc: {  	s6 =	sor.u32 $0x1C02, s31;
	s5 =	sadd.s32 $0x17200, s7;
	s7 =	sadd.s32 $0x3200, s10  }
0xd: {  	s8 =	sadd.s32 $0xD200, s10;
	s9 =	sadd.s32 $0x66200, s12;
	s10 =	smax.u32 s11, $0x1  }
0xe: {  	s11 =	sshrl.u32 s13, $0x3;
	s12 =	simm.s32 $0x2;
	s13 =	simm.s32 $0x2800  }
.LBB2_1:
0xf: {  	[spmem:s11], [sflag:s6] =	dma.local [hbm:s5], $0x2780  }
0x10: {  	_ =	swait.ge [sflag:s12], $0x2780  }
0x11: {  	[sflag:s12] =	ssyncset.done $0x0  }
0x12: {  	[sflag:s12] =	ssyncadd.s32 $0xFFFFD880  }
0x13: {  	[tilespmem:s3], [sflag:$0x2] =	stream.linear.gather [hbm4b:s7+s3], $0x2800, $0x38;
	[tilespmem:$0x1CC00] =	vst v63  }
0x14: {  	_ =	swait.ge [sflag:s12], $0x2800  }
0x15: {  	[sflag:s12] =	ssyncset.done $0x0  }
0x16: {  	[sflag:s12] =	ssyncadd.s32 $0xFFFFD800  }
0x17: {  	[tilespmem:s13], [sflag:$0x2] =	stream.linear.gather [hbm4b:s8+s3], $0x2800, $0x38;
	[tilespmem:$0x1CC00] =	vst v63  }
0x18: {  	_ =	swait.ge [sflag:s12], $0x2800  }
0x19: {  	[sflag:s12] =	ssyncset.done $0x0  }
0x1a: {  	[sflag:s12] =	ssyncadd.s32 $0xFFFFD800  }
0x1b: {  	s18 =	simm.s32 $0x0;
	[bflag:$0x0] =	sbarrier.arrive $0xFFFF  }
0x1c: {  	[tilespmem:s15], [sflag:$0x1] =	stream.indirect.gather [hbm4b:s4+s14], $0x80, s18, s14, $0xb8;
	[tilespmem:$0x1CC00] =	vst v63  }
0x1d: {  	_ =	swait.ge [sflag:s16], $0x4000  }
0x1e: {  	[sflag:s16] =	ssyncset.done $0x0  }
0x1f: {  	s31 =	simm.s32 $0x2800;
	[sflag:s16] =	ssyncadd.s32 $0xFFFFC000  }
0x20: {  	[spmem:s2] =	stream.indirect.scatter.add.f32 [tilespmem:s15], [sflag:$0x2], $0x80, s31, s14, $0xb8;
	[tilespmem:$0x1CC00] =	vst v63  }
0x21: {  	_ =	swait.ge [sflag:s12], $0x4000  }
0x22: {  	s19 =	simm.s32 $0x400;
	s18 =	simm.s32 $0x200;
	[sflag:s12] =	ssyncset.done $0x0  }
.LBB2_2:
0x23: {  	s20 =	sshra.s32 s18, $0x2  }
0x24: {  	[sflag:s12] =	ssyncadd.s32 $0xFFFFC000;
	s18 =	smov.u32 s19;
	s21 =	sadd.s32 $0x200, s19  }
0x25: {  	[tilespmem:s15], [sflag:$0x1] =	stream.indirect.gather [hbm4b:s4+s14], $0x80, s20, s14, $0xb8;
	[tilespmem:$0x1CC00] =	vst v63  }
0x26: {  	p0 =	sne.s32 s19, $0x9E00;
	_ =	swait.ge [sflag:s16], $0x4000  }
.Ltmp0:
0x27: {  	[sflag:s16] =	ssyncset.done $0x0;
	(pc) =	sbr.rel @p0 .LBB2_2-.Ltmp0, $4  }
0x28: {  	s19 =	sadd.s32 $0x2800, s20;
	[sflag:s16] =	ssyncadd.s32 $0xFFFFC000  }
0x29: {  	[spmem:s2] =	stream.indirect.scatter.add.f32 [tilespmem:s15], [sflag:$0x2], $0x80, s19, s14, $0xb8;
	[tilespmem:$0x1CC00] =	vst v63  }
0x2a: {  	_ =	swait.ge [sflag:s12], $0x4000  }
0x2b: {  	s19 =	smov.u32 s21;
	[sflag:s12] =	ssyncset.done $0x0  }
0x2c: {  	s18 =	sshra.s32 s18, $0x2;
	[sflag:s12] =	ssyncadd.s32 $0xFFFFC000  }
0x2d: {  	[tilespmem:s15], [sflag:$0x1] =	stream.indirect.gather [hbm4b:s4+s14], $0x80, s18, s14, $0xb8;
	[tilespmem:$0x1CC00] =	vst v63  }
0x2e: {  	_ =	swait.ge [sflag:s16], $0x4000  }
0x2f: {  	[sflag:s16] =	ssyncset.done $0x0  }
0x30: {  	s18 =	sadd.s32 $0x2800, s18;
	[sflag:s16] =	ssyncadd.s32 $0xFFFFC000  }
0x31: {  	[spmem:s2] =	stream.indirect.scatter.add.f32 [tilespmem:s15], [sflag:$0x2], $0x80, s18, s14, $0xb8;
	[tilespmem:$0x1CC00] =	vst v63  }
0x32: {  	_ =	swait.ge [sflag:s12], $0x4000  }
0x33: {  	s17 =	sadd.s32 $0x1, s17;
	[sflag:s12] =	ssyncset.done $0x0  }
0x34: {  	p0 =	sne.s32 s17, s10;
	[sflag:s12] =	ssyncadd.s32 $0xFFFFC000  }
.Ltmp1:
0x35: {  	[bflag:$0x0] =	sbarrier.arrive $0xFFFF;
	(pc) =	sbr.rel @p0 .LBB2_1-.Ltmp1, $4  }
0x36: {  	[hbm:s9], [sflag:s6] =	dma.local [spmem:s11], $0x2780  }
0x37: {  	_ =	swait.ge [sflag:s12], $0x2780  }
0x38: {  	[sflag:s12] =	ssyncset.done $0x0  }
0x39: {  	[sflag:s12] =	ssyncadd.s32 $0xFFFFD880  }
0x3a: {  	_ =	sfence.sel $0x180000  }
0x3b: {  	[bflag:$0x0] =	sbarrier.arrive $0xFFFF  }
0x3c: {  	p0 =	sne.s32 s0, $0x0;
	_ =	strace $0x9000004A  }
0x3d: {  	s0 =	sadd.s32 @!p0 $0x100000, s1;
	[bflag:$0x2] =	sbarrier.arrive $0xFFFF  }
0x3e: {  	[sflag:s0] =	ssyncadd.tile.s32 @!p0 $0x1;
	_ =	shalt  }
.Lfunc_end2:
_tile_overlayer_lowered:
.L_overlay_start_2:
0x3f: {  	(tag) =	ssettag $0x2  }
0x40: {  	s0 =	rddreg [dreg:$0x0];
	s2 =	stileid.u32  }
0x41: {  	s1 =	rddreg [dreg:$0x1];
	p0 =	sne.s32 s2, $0x0  }
0x42: {  	s3 =	rddreg [dreg:$0x2];
	[bflag:$0x3] =	sbarrier.arrive $0xFFFF;
	s2 =	simm.s32 @!p0 $0x1C02  }
0x43: {  	[timem:s3], [sflag:s2] =	dma.local @!p0 [hbm:s0], s1  }
0x44: {  	s0 =	simm.s32 @!p0 $0x2  }
0x45: {  	_ =	swait.ge @!p0 [sflag:s0], s1  }
0x46: {  	s1 =	ssub.s32 @!p0 $0x0, s1;
	[sflag:s0] =	ssyncset.done @!p0 $0x0  }
0x47: {  	[sflag:s0] =	ssyncadd.s32 @!p0 s1  }
0x48: {  	[bflag:$0x3] =	sbarrier.arrive $0xFFFF  }
0x49: {  	_ =	shalt  }

// kernel: kernel.15.cloned.1.call-start
scs
__scs_entry_jumppad:
0x0: {  	(pc) =	sbr.rel $0x88, $3  }
0x1: {  	(tag) =	ssettag $0x0;
	lr =	simm.s32 $0x1  }
0x2: {  	[smem:$0x3F96] =	sst lr;
	_ =	strace $0xD0000000  }
0x3: {  	_ = 	snop  }
0x4: {  	_ = 	snop  }
0x5: {  	_ = 	snop  }
0x6: {  	_ = 	snop  }
0x7: {  	_ = 	snop  }
__scs_overlays_trampoline_lowered:
0x8: {  	[smem:$0x3FA5] =	sst s0  }
0x9: {  	[smem:$0x3FA6] =	sst s1  }
0xa: {  	[smem:$0x3FA7] =	sst s2  }
0xb: {  	[smem:$0x3FA8] =	sst s3  }
0xc: {  	[smem:$0x3FA9] =	sst s4  }
0xd: {  	[smem:$0x3FAA] =	sst s5  }
0xe: {  	[smem:$0x3FAB] =	sst s6  }
0xf: {  	[smem:$0x3FAC] =	sst s7  }
0x10: {  	[smem:$0x3FAD] =	sst s8  }
0x11: {  	[smem:$0x3FAE] =	sst s9;
	s0 =	simm.s32 @!p0 $0x0  }
0x12: {  	s1 =	sld [smem:$0x3F94];
	s0 =	simm.s32 @p0 $0x1  }
0x13: {  	[smem:$0x3FAF] =	sst s0;
	s0 =	simm.s32 @!p1 $0x0  }
0x14: {  	s2 =	sld [smem:$0x3F93];
	s0 =	simm.s32 @p1 $0x1  }
0x15: {  	[smem:$0x3FB0] =	sst s0;
	s0 =	simm.s32 @!p2 $0x0  }
0x16: {  	s3 =	sld [smem:$0x3FDB];
	s0 =	simm.s32 @p2 $0x1  }
0x17: {  	s4 =	simm.s32 $0x1BF5;
	[smem:$0x3FB2] =	sst s0  }
0x18: {  	s0 =	sld [smem:$0x3F95];
	_ =	swait.ge [sflag:s4], $0x0  }
0x19: {  	s7 =	sld [smem:$0x3F96]  }
0x1a: {  	s8 =	sadd.s32 $0xFFFFE003, lr  }
0x1b: {  	s9 =	sadd.s32 $0xFFFFFEF7, lr;
	s5 =	simm.s32 $0xFFFFFFFF;
	p2 =	slt.u32 s8, $0xFFFFF086  }
0x1c: {  	p1 =	slt.u32 s9, $0xF7A;
	s5 =	simm.s32 @!p2 $0x0  }
0x1d: {  	s5 =	simm.s32 @p1 $0x1;
	p0 =	seq.s32 s7, s2  }
0x1e: {  	s7 =	smul.u32 @!p0 $0xF7A, s2;
	p2 =	seq.s32 @!p0 s5, $0x0  }
0x1f: {  	s9 =	smul.u32 $0xF7A, s1;
	s8 =	simm.s32 @!p0 $0x1BF5;
	p2 =	por !p2, p0  }
0x20: {  	[sflag:s8] =	ssyncset.s32 @!p0 $0xFFFFF086;
	s6 =	sadd.s32 @!p0 s3, s7;
	s7 =	simm.s32 @!p0 $0x108  }
0x21: {  	s3 =	sadd.s32 s3, s9;
	s6 =	sadd.s32 @!p0 $0x88, s6;
	s7 =	simm.s32 @p2 $0x1082  }
0x22: {  	[simem:s7], [sflag:s8] =	dma.local @!p0 [hbm:s6], $0xF7A  }
0x23: {  	s9 =	sor.u32 $0xD0000000, s2;
	s6 =	simm.s32 $0x108;
	_ =	swait.ge @!p0 [sflag:s8], $0x0  }
0x24: {  	s3 =	sadd.s32 $0x88, s3;
	s6 =	simm.s32 @!p1 $0x1082;
	[sflag:s4] =	ssyncset.s32 $0xFFFFF086  }
0x25: {  	[simem:s6], [sflag:s4] =	dma.local [hbm:s3], $0xF7A  }
0x26: {  	[smem:$0x3F96] =	sst s1;
	(tag) =	ssettag s2;
	_ =	strace s9  }
0x27: {  	s1 =	sld [smem:$0x3FA6]  }
0x28: {  	s2 =	sld [smem:$0x3FA7]  }
0x29: {  	s4 =	sld [smem:$0x3FA9]  }
0x2a: {  	p0 =	seq.s32 s5, $0x0;
	s5 =	sld [smem:$0x3FAA]  }
0x2b: {  	s6 =	sld [smem:$0x3FAB]  }
0x2c: {  	s7 =	sld [smem:$0x3FAC]  }
0x2d: {  	s3 =	simm.s32 $0x108;
	s8 =	sld [smem:$0x3FAD]  }
0x2e: {  	s3 =	simm.s32 @!p0 $0x1082;
	s9 =	sld [smem:$0x3FAE]  }
0x2f: {  	lr =	sadd.s32 s0, s3;
	s0 =	sld [smem:$0x3FA5]  }
0x30: {  	s3 =	sld [smem:$0x3FA8]  }
0x31: {  	[smem:$0x3FB1] =	sst s10  }
0x32: {  	s10 =	sld [smem:$0x3FAF];
	_ =	sdelay $0x3  }
0x33: {  	p0 =	seq.s32 s10, $0x1;
	s10 =	sld [smem:$0x3FB1];
	_ =	sdelay $0x3  }
0x34: {  	[smem:$0x3FB1] =	sst s10  }
0x35: {  	s10 =	sld [smem:$0x3FB0];
	_ =	sdelay $0x3  }
0x36: {  	p1 =	seq.s32 s10, $0x1;
	s10 =	sld [smem:$0x3FB1];
	_ =	sdelay $0x3  }
0x37: {  	[smem:$0x3FB1] =	sst s10  }
0x38: {  	s10 =	sld [smem:$0x3FB2]  }
0x39: {  	_ = 	snop;
	(pc) =	sbr.ind lr, $3  }
0x3a: {  	_ = 	snop  }
0x3b: {  	_ = 	snop  }
0x3c: {  	p2 =	seq.s32 s10, $0x1;
	s10 =	sld [smem:$0x3FB1]  }
0x3d: {  	_ =	shalt  }
0x3e: {  	_ =	shalt  }
0x3f: {  	_ =	shalt  }
0x40: {  	_ =	shalt  }
0x41: {  	_ =	shalt  }
0x42: {  	_ =	shalt  }
0x43: {  	_ =	shalt  }
0x44: {  	_ =	shalt  }
0x45: {  	_ =	shalt  }
0x46: {  	_ =	shalt  }
0x47: {  	_ =	shalt  }
0x48: {  	_ =	shalt  }
0x49: {  	_ =	shalt  }
0x4a: {  	_ =	shalt  }
0x4b: {  	_ =	shalt  }
0x4c: {  	_ =	shalt  }
0x4d: {  	_ =	shalt  }
0x4e: {  	_ =	shalt  }
0x4f: {  	_ =	shalt  }
0x50: {  	_ =	shalt  }
0x51: {  	_ =	shalt  }
0x52: {  	_ =	shalt  }
0x53: {  	_ =	shalt  }
0x54: {  	_ =	shalt  }
0x55: {  	_ =	shalt  }
0x56: {  	_ =	shalt  }
0x57: {  	_ =	shalt  }
0x58: {  	_ =	shalt  }
0x59: {  	_ =	shalt  }
0x5a: {  	_ =	shalt  }
0x5b: {  	_ =	shalt  }
0x5c: {  	_ =	shalt  }
0x5d: {  	_ =	shalt  }
0x5e: {  	_ =	shalt  }
0x5f: {  	_ =	shalt  }
0x60: {  	_ =	shalt  }
0x61: {  	_ =	shalt  }
0x62: {  	_ =	shalt  }
0x63: {  	_ =	shalt  }
0x64: {  	_ =	shalt  }
0x65: {  	_ =	shalt  }
0x66: {  	_ =	shalt  }
0x67: {  	_ =	shalt  }
0x68: {  	_ =	shalt  }
0x69: {  	_ =	shalt  }
0x6a: {  	_ =	shalt  }
0x6b: {  	_ =	shalt  }
0x6c: {  	_ =	shalt  }
0x6d: {  	_ =	shalt  }
0x6e: {  	_ =	shalt  }
0x6f: {  	_ =	shalt  }
0x70: {  	_ =	shalt  }
0x71: {  	_ =	shalt  }
0x72: {  	_ =	shalt  }
0x73: {  	_ =	shalt  }
0x74: {  	_ =	shalt  }
0x75: {  	_ =	shalt  }
0x76: {  	_ =	shalt  }
0x77: {  	_ =	shalt  }
0x78: {  	_ =	shalt  }
0x79: {  	_ =	shalt  }
0x7a: {  	_ =	shalt  }
0x7b: {  	_ =	shalt  }
0x7c: {  	_ =	shalt  }
0x7d: {  	_ =	shalt  }
0x7e: {  	_ =	shalt  }
0x7f: {  	_ =	shalt  }
0x80: {  	_ =	shalt  }
0x81: {  	_ =	shalt  }
0x82: {  	_ =	shalt  }
0x83: {  	_ =	shalt  }
0x84: {  	_ =	shalt  }
0x85: {  	_ =	shalt  }
0x86: {  	_ =	shalt  }
0x87: {  	_ =	shalt  }
.Lfunc_end0:
.L_simem_size_0:
called_computation.2_lowered:
.L_overlay_start_0:
0x88: {  	s2 =	sld [smem:$0x3FD9]  }
0x89: {  	s3 =	sld [smem:$0x3FFE];
	_ =	sdelay $0x1  }
0x8a: {  	s1 =	srdreg.scid  }
0x8b: {  	s0 =	sand.u32 $0x1, s1  }
0x8c: {  	s16 =	sshll.u32 s0, $0xA;
	s2 =	sadd.s32 s3, s2  }
0x8d: {  	s2 =	sadd.s32 s2, s16  }
0x8e: {  	[smem:$0x3FBD] =	sst s2  }
0x8f: {  	_ = 	snop  }
0x90: {  	(tm) =	ssettm $0x1  }
0x91: {  	s17 =	sld [smem:$0x3FFB];
	_ =	sdelay $0x3  }
0x92: {  	_ =	strace s17  }
0x93: {  	s2 =	sld [smem:$0x3FFC];
	_ =	sdelay $0x3  }
0x94: {  	_ =	strace s2  }
0x95: {  	s2 =	sld [smem:$0x3FFD];
	_ =	sdelay $0x3  }
0x96: {  	_ =	strace s2  }
0x97: {  	_ =	strace $0x8FFFFFFF  }
0x98: {  	s18 =	sld [smem:$0x3FDB];
	_ =	sdelay $0x1  }
0x99: {  	s19 =	simm.s32 $_scs_section_size  }
0x9a: {  	s4 =	simm.s32 $_size__tile_overlayer_lowered;
	s5 =	simm.s32 $_tile_overlayer_lowered  }
0x9b: {  	s22 =	simm.s32 $0x1BFF;
	s21 =	sshll.u32 s5, $0x1;
	s2 =	sadd.s32 s19, s18  }
0x9c: {  	s6 =	simm.s32 $0x0;
	s20 =	sshll.u32 s4, $0x1;
	s4 =	sadd.s32 s21, s2  }
0x9d: {  	[timem:s6], [sflag:s22] =	dma.local [hbm:s4], s20  }
0x9e: {  	_ =	swait.ge [sflag:s22], s20  }
0x9f: {  	s3 =	ssub.s32 $0x0, s20;
	[sflag:s22] =	ssyncset.done $0x0  }
0xa0: {  	[sflag:s22] =	ssyncadd.s32 s3;
	_ =	sdelay $0x1  }
0xa1: {  	s23 =	simm.s32 $0x1B8B  }
0xa2: {  	_ =	swait.ge [sflag:s23], $0x1  }
0xa3: {  	[sflag:s23] =	ssyncset.done $0x0  }
0xa4: {  	s25 =	simm.s32 $0x1B8E;
	s24 =	sld [smem:$0x3FFE];
	[sflag:s23] =	ssyncadd.s32 $0xFFFFFFFF  }
0xa5: {  	s26 =	simm.s32 $execute0_lowered;
	[smem:$0x3FD2] =	sst s25  }
0xa6: {  	s4 =	sshll.u32 s26, $0x1;
	_ =	strace $0x8000004C;
	[dreg:$0x1] =	wrdreg $0xFFFFFFFF  }
0xa7: {  	s28 =	simm.s32 $_size_execute0_lowered;
	s2 =	sadd.s32 s2, s4;
	[dreg:$0x0] =	wrdreg $0x0  }
0xa8: {  	s4 =	sshll.u32 s28, $0x1;
	[dreg:$0x2] =	wrdreg s2  }
0xa9: {  	[dreg:$0x3] =	wrdreg s4  }
0xaa: {  	[dreg:$0x4] =	wrdreg $0xC0  }
0xab: {  	_ =	task [dreg:s6], $0x5FFFF  }
0xac: {  	[dreg:$0x1] =	wrdreg $0xFFFFFFFF  }
0xad: {  	[dreg:$0x0] =	wrdreg $0x60  }
0xae: {  	[dreg:$0x2] =	wrdreg s24  }
0xaf: {  	[dreg:$0x3] =	wrdreg $0x90000  }
0xb0: {  	[dreg:$0x4] =	wrdreg $0x9  }
0xb1: {  	_ =	task.clear_ibuf [dreg:s6], $0x5FFFF;
	_ =	strace $0x9000004C  }
0xb2: {  	s29 =	simm.s32 $0x9;
	_ =	strace $0x8000004E  }
0xb3: {  	_ =	swait.ge [sflag:s29], $0x1  }
0xb4: {  	[sflag:s29] =	ssyncadd.s32 $0xFFFFFFFF  }
0xb5: {  	_ =	strace $0x9000004E  }
0xb6: {  	_ =	sfence  }
0xb7: {  	s30 =	sld [smem:$0x0];
	_ =	sdelay $0x2  }
0xb8: {  	s31 =	sshll.u32 s1, $0xD;
	s1 =	sshrl.u32 s1, $0x2  }
0xb9: {  	s3 =	sand.u32 $0x4000, s31;
	s1 =	sadd.s32 s1, s30  }
0xba: {  	s0 =	sor.u32 s3, s0;
	s1 =	sshll.u32 s1, $0x11  }
0xbb: {  	s0 =	sor.u32 s1, s0  }
0xbc: {  	s0 =	sadd.s32 $0x8F2B, s0  }
0xbd: {  	[sflag:s0] =	ssyncadd.remote.s32 $0x1  }
0xbe: {  	_ =	sfence.sel $0xFFFF  }
0xbf: {  	[dreg:$0x0] =	wrdreg $0xFFFFFFFF;
	(pc) =	sbr.abs _section_cstart, $3  }
0xc0: {  	[dreg:$0x1] =	wrdreg $0xFFFFFFFF  }
0xc1: {  	_ =	task.clear_ibuf [dreg:s6], $0x2FFFF;
	_ =	strace $0x9FFFFFFF  }
0xc2: {  	(tm) =	ssettm $0x7FFFFFFF  }
0xc3: {  	_ =	shalt  }
tec
execute0_lowered:
.L_overlay_start_1:
0x0: {  	(tag) =	ssettag $0x1  }
0x1: {  	s0 =	srdreg.scid;
	s6 =	rddreg [dreg:$0x0]  }
0x2: {  	s2 =	rddreg [dreg:$0x1];
	s3 =	simm.s32 $0x0;
	s14 =	simm.s32 $0x80  }
0x3: {  	s15 =	simm.s32 $0x5000;
	s5 =	sand.u32 $0x1, s0;
	s0 =	stileid.u32  }
0x4: {  	s16 =	simm.s32 $0x1;
	s17 =	simm.s32 $0x0;
	s8 =	smul.u32 $0x13C00, s0  }
0x5: {  	[smem:$0x7FF] =	sst s3;
	s1 =	sshll.u32 s5, $0x4;
	s9 =	smul.u32 $0x13C000, s5  }
0x6: {  	s5 =	ssub.s32 $0x2, s5;
	s29 =	smul.u32 $0x4F000, s0;
	s31 =	sshll.u32 s0, $0x6  }
0x7: {  	s4 =	sor.u32 s0, s1;
	s1 =	rddreg [dreg:$0x2];
	_ =	strace $0x8000004D  }
0x8: {  	s11 =	sshrl.u32 s5, $0x1;
	s7 =	smul.u32 $0x500, s4;
	s4 =	sadd.s32 $0x3EA00, s6  }
0x9: {  	s28 =	sshrl.u32 s8, $0x3;
	s8 =	sadd.s32 s8, s9;
	s30 =	sshrl.u32 s29, $0x2  }
0xa: {  	s11 =	ssub.s32 s5, s11;
	s8 =	sshrl.u32 s8, $0x3;
	s13 =	sadd.s32 s30, s2  }
0xb: {  	s10 =	sadd.s32 s7, s6;
	s7 =	sadd.s32 s28, s6;
	s12 =	sadd.s32 s8, s6  }
0xc: {  	s6 =	sor.u32 $0x1C02, s31;
	s5 =	sadd.s32 $0x17200, s7;
	s7 =	sadd.s32 $0x3200, s10  }
0xd: {  	s8 =	sadd.s32 $0xD200, s10;
	s9 =	sadd.s32 $0x66200, s12;
	s10 =	smax.u32 s11, $0x1  }
0xe: {  	s11 =	sshrl.u32 s13, $0x3;
	s12 =	simm.s32 $0x2;
	s13 =	simm.s32 $0x2800  }
.LBB2_1:
0xf: {  	[spmem:s11], [sflag:s6] =	dma.local [hbm:s5], $0x2780  }
0x10: {  	_ =	swait.ge [sflag:s12], $0x2780  }
0x11: {  	[sflag:s12] =	ssyncset.done $0x0  }
0x12: {  	[sflag:s12] =	ssyncadd.s32 $0xFFFFD880  }
0x13: {  	[tilespmem:s3], [sflag:$0x2] =	stream.linear.gather [hbm4b:s7+s3], $0x2800, $0x38;
	[tilespmem:$0x1CC00] =	vst v63  }
0x14: {  	_ =	swait.ge [sflag:s12], $0x2800  }
0x15: {  	[sflag:s12] =	ssyncset.done $0x0  }
0x16: {  	[sflag:s12] =	ssyncadd.s32 $0xFFFFD800  }
0x17: {  	[tilespmem:s13], [sflag:$0x2] =	stream.linear.gather [hbm4b:s8+s3], $0x2800, $0x38;
	[tilespmem:$0x1CC00] =	vst v63  }
0x18: {  	_ =	swait.ge [sflag:s12], $0x2800  }
0x19: {  	[sflag:s12] =	ssyncset.done $0x0  }
0x1a: {  	[sflag:s12] =	ssyncadd.s32 $0xFFFFD800  }
0x1b: {  	s18 =	simm.s32 $0x0;
	[bflag:$0x0] =	sbarrier.arrive $0xFFFF  }
0x1c: {  	[tilespmem:s15], [sflag:$0x1] =	stream.indirect.gather [hbm4b:s4+s14], $0x80, s18, s14, $0xb8;
	[tilespmem:$0x1CC00] =	vst v63  }
0x1d: {  	_ =	swait.ge [sflag:s16], $0x4000  }
0x1e: {  	[sflag:s16] =	ssyncset.done $0x0  }
0x1f: {  	s31 =	simm.s32 $0x2800;
	[sflag:s16] =	ssyncadd.s32 $0xFFFFC000  }
0x20: {  	[spmem:s2] =	stream.indirect.scatter.add.f32 [tilespmem:s15], [sflag:$0x2], $0x80, s31, s14, $0xb8;
	[tilespmem:$0x1CC00] =	vst v63  }
0x21: {  	_ =	swait.ge [sflag:s12], $0x4000  }
0x22: {  	s19 =	simm.s32 $0x400;
	s18 =	simm.s32 $0x200;
	[sflag:s12] =	ssyncset.done $0x0  }
.LBB2_2:
0x23: {  	s20 =	sshra.s32 s18, $0x2  }
0x24: {  	[sflag:s12] =	ssyncadd.s32 $0xFFFFC000;
	s18 =	smov.u32 s19;
	s21 =	sadd.s32 $0x200, s19  }
0x25: {  	[tilespmem:s15], [sflag:$0x1] =	stream.indirect.gather [hbm4b:s4+s14], $0x80, s20, s14, $0xb8;
	[tilespmem:$0x1CC00] =	vst v63  }
0x26: {  	p0 =	sne.s32 s19, $0x9E00;
	_ =	swait.ge [sflag:s16], $0x4000  }
.Ltmp0:
0x27: {  	[sflag:s16] =	ssyncset.done $0x0;
	(pc) =	sbr.rel @p0 .LBB2_2-.Ltmp0, $4  }
0x28: {  	s19 =	sadd.s32 $0x2800, s20;
	[sflag:s16] =	ssyncadd.s32 $0xFFFFC000  }
0x29: {  	[spmem:s2] =	stream.indirect.scatter.add.f32 [tilespmem:s15], [sflag:$0x2], $0x80, s19, s14, $0xb8;
	[tilespmem:$0x1CC00] =	vst v63  }
0x2a: {  	_ =	swait.ge [sflag:s12], $0x4000  }
0x2b: {  	s19 =	smov.u32 s21;
	[sflag:s12] =	ssyncset.done $0x0  }
0x2c: {  	s18 =	sshra.s32 s18, $0x2;
	[sflag:s12] =	ssyncadd.s32 $0xFFFFC000  }
0x2d: {  	[tilespmem:s15], [sflag:$0x1] =	stream.indirect.gather [hbm4b:s4+s14], $0x80, s18, s14, $0xb8;
	[tilespmem:$0x1CC00] =	vst v63  }
0x2e: {  	_ =	swait.ge [sflag:s16], $0x4000  }
0x2f: {  	[sflag:s16] =	ssyncset.done $0x0  }
0x30: {  	s18 =	sadd.s32 $0x2800, s18;
	[sflag:s16] =	ssyncadd.s32 $0xFFFFC000  }
0x31: {  	[spmem:s2] =	stream.indirect.scatter.add.f32 [tilespmem:s15], [sflag:$0x2], $0x80, s18, s14, $0xb8;
	[tilespmem:$0x1CC00] =	vst v63  }
0x32: {  	_ =	swait.ge [sflag:s12], $0x4000  }
0x33: {  	s17 =	sadd.s32 $0x1, s17;
	[sflag:s12] =	ssyncset.done $0x0  }
0x34: {  	p0 =	sne.s32 s17, s10;
	[sflag:s12] =	ssyncadd.s32 $0xFFFFC000  }
.Ltmp1:
0x35: {  	[bflag:$0x0] =	sbarrier.arrive $0xFFFF;
	(pc) =	sbr.rel @p0 .LBB2_1-.Ltmp1, $4  }
0x36: {  	[hbm:s9], [sflag:s6] =	dma.local [spmem:s11], $0x2780  }
0x37: {  	_ =	swait.ge [sflag:s12], $0x2780  }
0x38: {  	[sflag:s12] =	ssyncset.done $0x0  }
0x39: {  	[sflag:s12] =	ssyncadd.s32 $0xFFFFD880  }
0x3a: {  	_ =	sfence.sel $0x180000  }
0x3b: {  	[bflag:$0x0] =	sbarrier.arrive $0xFFFF  }
0x3c: {  	p0 =	sne.s32 s0, $0x0;
	_ =	strace $0x9000004D  }
0x3d: {  	s0 =	sadd.s32 @!p0 $0x100000, s1;
	[bflag:$0x2] =	sbarrier.arrive $0xFFFF  }
0x3e: {  	[sflag:s0] =	ssyncadd.tile.s32 @!p0 $0x1;
	_ =	shalt  }
.Lfunc_end2:
_tile_overlayer_lowered:
.L_overlay_start_2:
0x3f: {  	(tag) =	ssettag $0x2  }
0x40: {  	s0 =	rddreg [dreg:$0x0];
	s2 =	stileid.u32  }
0x41: {  	s1 =	rddreg [dreg:$0x1];
	p0 =	sne.s32 s2, $0x0  }
0x42: {  	s3 =	rddreg [dreg:$0x2];
	[bflag:$0x3] =	sbarrier.arrive $0xFFFF;
	s2 =	simm.s32 @!p0 $0x1C02  }
0x43: {  	[timem:s3], [sflag:s2] =	dma.local @!p0 [hbm:s0], s1  }
0x44: {  	s0 =	simm.s32 @!p0 $0x2  }
0x45: {  	_ =	swait.ge @!p0 [sflag:s0], s1  }
0x46: {  	s1 =	ssub.s32 @!p0 $0x0, s1;
	[sflag:s0] =	ssyncset.done @!p0 $0x0  }
0x47: {  	[sflag:s0] =	ssyncadd.s32 @!p0 s1  }
0x48: {  	[bflag:$0x3] =	sbarrier.arrive $0xFFFF  }
0x49: {  	_ =	shalt  }

// kernel: kernel.9.cloned.1.call-start
scs
__scs_entry_jumppad:
0x0: {  	(pc) =	sbr.rel $0x88, $3  }
0x1: {  	(tag) =	ssettag $0x0;
	lr =	simm.s32 $0x1  }
0x2: {  	[smem:$0x3F96] =	sst lr;
	_ =	strace $0xD0000000  }
0x3: {  	_ = 	snop  }
0x4: {  	_ = 	snop  }
0x5: {  	_ = 	snop  }
0x6: {  	_ = 	snop  }
0x7: {  	_ = 	snop  }
__scs_overlays_trampoline_lowered:
0x8: {  	[smem:$0x3FA5] =	sst s0  }
0x9: {  	[smem:$0x3FA6] =	sst s1  }
0xa: {  	[smem:$0x3FA7] =	sst s2  }
0xb: {  	[smem:$0x3FA8] =	sst s3  }
0xc: {  	[smem:$0x3FA9] =	sst s4  }
0xd: {  	[smem:$0x3FAA] =	sst s5  }
0xe: {  	[smem:$0x3FAB] =	sst s6  }
0xf: {  	[smem:$0x3FAC] =	sst s7  }
0x10: {  	[smem:$0x3FAD] =	sst s8  }
0x11: {  	[smem:$0x3FAE] =	sst s9;
	s0 =	simm.s32 @!p0 $0x0  }
0x12: {  	s1 =	sld [smem:$0x3F94];
	s0 =	simm.s32 @p0 $0x1  }
0x13: {  	[smem:$0x3FAF] =	sst s0;
	s0 =	simm.s32 @!p1 $0x0  }
0x14: {  	s2 =	sld [smem:$0x3F93];
	s0 =	simm.s32 @p1 $0x1  }
0x15: {  	[smem:$0x3FB0] =	sst s0;
	s0 =	simm.s32 @!p2 $0x0  }
0x16: {  	s3 =	sld [smem:$0x3FDB];
	s0 =	simm.s32 @p2 $0x1  }
0x17: {  	s4 =	simm.s32 $0x1BF5;
	[smem:$0x3FB2] =	sst s0  }
0x18: {  	s0 =	sld [smem:$0x3F95];
	_ =	swait.ge [sflag:s4], $0x0  }
0x19: {  	s7 =	sld [smem:$0x3F96]  }
0x1a: {  	s8 =	sadd.s32 $0xFFFFE003, lr  }
0x1b: {  	s9 =	sadd.s32 $0xFFFFFEF7, lr;
	s5 =	simm.s32 $0xFFFFFFFF;
	p2 =	slt.u32 s8, $0xFFFFF086  }
0x1c: {  	p1 =	slt.u32 s9, $0xF7A;
	s5 =	simm.s32 @!p2 $0x0  }
0x1d: {  	s5 =	simm.s32 @p1 $0x1;
	p0 =	seq.s32 s7, s2  }
0x1e: {  	s7 =	smul.u32 @!p0 $0xF7A, s2;
	p2 =	seq.s32 @!p0 s5, $0x0  }
0x1f: {  	s9 =	smul.u32 $0xF7A, s1;
	s8 =	simm.s32 @!p0 $0x1BF5;
	p2 =	por !p2, p0  }
0x20: {  	[sflag:s8] =	ssyncset.s32 @!p0 $0xFFFFF086;
	s6 =	sadd.s32 @!p0 s3, s7;
	s7 =	simm.s32 @!p0 $0x108  }
0x21: {  	s3 =	sadd.s32 s3, s9;
	s6 =	sadd.s32 @!p0 $0x88, s6;
	s7 =	simm.s32 @p2 $0x1082  }
0x22: {  	[simem:s7], [sflag:s8] =	dma.local @!p0 [hbm:s6], $0xF7A  }
0x23: {  	s9 =	sor.u32 $0xD0000000, s2;
	s6 =	simm.s32 $0x108;
	_ =	swait.ge @!p0 [sflag:s8], $0x0  }
0x24: {  	s3 =	sadd.s32 $0x88, s3;
	s6 =	simm.s32 @!p1 $0x1082;
	[sflag:s4] =	ssyncset.s32 $0xFFFFF086  }
0x25: {  	[simem:s6], [sflag:s4] =	dma.local [hbm:s3], $0xF7A  }
0x26: {  	[smem:$0x3F96] =	sst s1;
	(tag) =	ssettag s2;
	_ =	strace s9  }
0x27: {  	s1 =	sld [smem:$0x3FA6]  }
0x28: {  	s2 =	sld [smem:$0x3FA7]  }
0x29: {  	s4 =	sld [smem:$0x3FA9]  }
0x2a: {  	p0 =	seq.s32 s5, $0x0;
	s5 =	sld [smem:$0x3FAA]  }
0x2b: {  	s6 =	sld [smem:$0x3FAB]  }
0x2c: {  	s7 =	sld [smem:$0x3FAC]  }
0x2d: {  	s3 =	simm.s32 $0x108;
	s8 =	sld [smem:$0x3FAD]  }
0x2e: {  	s3 =	simm.s32 @!p0 $0x1082;
	s9 =	sld [smem:$0x3FAE]  }
0x2f: {  	lr =	sadd.s32 s0, s3;
	s0 =	sld [smem:$0x3FA5]  }
0x30: {  	s3 =	sld [smem:$0x3FA8]  }
0x31: {  	[smem:$0x3FB1] =	sst s10  }
0x32: {  	s10 =	sld [smem:$0x3FAF];
	_ =	sdelay $0x3  }
0x33: {  	p0 =	seq.s32 s10, $0x1;
	s10 =	sld [smem:$0x3FB1];
	_ =	sdelay $0x3  }
0x34: {  	[smem:$0x3FB1] =	sst s10  }
0x35: {  	s10 =	sld [smem:$0x3FB0];
	_ =	sdelay $0x3  }
0x36: {  	p1 =	seq.s32 s10, $0x1;
	s10 =	sld [smem:$0x3FB1];
	_ =	sdelay $0x3  }
0x37: {  	[smem:$0x3FB1] =	sst s10  }
0x38: {  	s10 =	sld [smem:$0x3FB2]  }
0x39: {  	_ = 	snop;
	(pc) =	sbr.ind lr, $3  }
0x3a: {  	_ = 	snop  }
0x3b: {  	_ = 	snop  }
0x3c: {  	p2 =	seq.s32 s10, $0x1;
	s10 =	sld [smem:$0x3FB1]  }
0x3d: {  	_ =	shalt  }
0x3e: {  	_ =	shalt  }
0x3f: {  	_ =	shalt  }
0x40: {  	_ =	shalt  }
0x41: {  	_ =	shalt  }
0x42: {  	_ =	shalt  }
0x43: {  	_ =	shalt  }
0x44: {  	_ =	shalt  }
0x45: {  	_ =	shalt  }
0x46: {  	_ =	shalt  }
0x47: {  	_ =	shalt  }
0x48: {  	_ =	shalt  }
0x49: {  	_ =	shalt  }
0x4a: {  	_ =	shalt  }
0x4b: {  	_ =	shalt  }
0x4c: {  	_ =	shalt  }
0x4d: {  	_ =	shalt  }
0x4e: {  	_ =	shalt  }
0x4f: {  	_ =	shalt  }
0x50: {  	_ =	shalt  }
0x51: {  	_ =	shalt  }
0x52: {  	_ =	shalt  }
0x53: {  	_ =	shalt  }
0x54: {  	_ =	shalt  }
0x55: {  	_ =	shalt  }
0x56: {  	_ =	shalt  }
0x57: {  	_ =	shalt  }
0x58: {  	_ =	shalt  }
0x59: {  	_ =	shalt  }
0x5a: {  	_ =	shalt  }
0x5b: {  	_ =	shalt  }
0x5c: {  	_ =	shalt  }
0x5d: {  	_ =	shalt  }
0x5e: {  	_ =	shalt  }
0x5f: {  	_ =	shalt  }
0x60: {  	_ =	shalt  }
0x61: {  	_ =	shalt  }
0x62: {  	_ =	shalt  }
0x63: {  	_ =	shalt  }
0x64: {  	_ =	shalt  }
0x65: {  	_ =	shalt  }
0x66: {  	_ =	shalt  }
0x67: {  	_ =	shalt  }
0x68: {  	_ =	shalt  }
0x69: {  	_ =	shalt  }
0x6a: {  	_ =	shalt  }
0x6b: {  	_ =	shalt  }
0x6c: {  	_ =	shalt  }
0x6d: {  	_ =	shalt  }
0x6e: {  	_ =	shalt  }
0x6f: {  	_ =	shalt  }
0x70: {  	_ =	shalt  }
0x71: {  	_ =	shalt  }
0x72: {  	_ =	shalt  }
0x73: {  	_ =	shalt  }
0x74: {  	_ =	shalt  }
0x75: {  	_ =	shalt  }
0x76: {  	_ =	shalt  }
0x77: {  	_ =	shalt  }
0x78: {  	_ =	shalt  }
0x79: {  	_ =	shalt  }
0x7a: {  	_ =	shalt  }
0x7b: {  	_ =	shalt  }
0x7c: {  	_ =	shalt  }
0x7d: {  	_ =	shalt  }
0x7e: {  	_ =	shalt  }
0x7f: {  	_ =	shalt  }
0x80: {  	_ =	shalt  }
0x81: {  	_ =	shalt  }
0x82: {  	_ =	shalt  }
0x83: {  	_ =	shalt  }
0x84: {  	_ =	shalt  }
0x85: {  	_ =	shalt  }
0x86: {  	_ =	shalt  }
0x87: {  	_ =	shalt  }
.Lfunc_end0:
.L_simem_size_0:
called_computation_lowered:
.L_overlay_start_0:
0x88: {  	s2 =	sld [smem:$0x3FD9]  }
0x89: {  	s3 =	sld [smem:$0x3FFE];
	_ =	sdelay $0x1  }
0x8a: {  	s1 =	srdreg.scid  }
0x8b: {  	s0 =	sand.u32 $0x1, s1  }
0x8c: {  	s16 =	sshll.u32 s0, $0xA;
	s2 =	sadd.s32 s3, s2  }
0x8d: {  	s2 =	sadd.s32 s2, s16  }
0x8e: {  	[smem:$0x3FBD] =	sst s2  }
0x8f: {  	_ = 	snop  }
0x90: {  	(tm) =	ssettm $0x1  }
0x91: {  	s17 =	sld [smem:$0x3FFB];
	_ =	sdelay $0x3  }
0x92: {  	_ =	strace s17  }
0x93: {  	s2 =	sld [smem:$0x3FFC];
	_ =	sdelay $0x3  }
0x94: {  	_ =	strace s2  }
0x95: {  	s2 =	sld [smem:$0x3FFD];
	_ =	sdelay $0x3  }
0x96: {  	_ =	strace s2  }
0x97: {  	_ =	strace $0x8FFFFFFF  }
0x98: {  	s18 =	sld [smem:$0x3FDB];
	_ =	sdelay $0x1  }
0x99: {  	s19 =	simm.s32 $_scs_section_size  }
0x9a: {  	s4 =	simm.s32 $_size__tile_overlayer_lowered;
	s5 =	simm.s32 $_tile_overlayer_lowered  }
0x9b: {  	s22 =	simm.s32 $0x1BFF;
	s21 =	sshll.u32 s5, $0x1;
	s2 =	sadd.s32 s19, s18  }
0x9c: {  	s6 =	simm.s32 $0x0;
	s20 =	sshll.u32 s4, $0x1;
	s4 =	sadd.s32 s21, s2  }
0x9d: {  	[timem:s6], [sflag:s22] =	dma.local [hbm:s4], s20  }
0x9e: {  	_ =	swait.ge [sflag:s22], s20  }
0x9f: {  	s3 =	ssub.s32 $0x0, s20;
	[sflag:s22] =	ssyncset.done $0x0  }
0xa0: {  	[sflag:s22] =	ssyncadd.s32 s3;
	_ =	sdelay $0x1  }
0xa1: {  	s23 =	simm.s32 $0x1B8B  }
0xa2: {  	_ =	swait.ge [sflag:s23], $0x1  }
0xa3: {  	[sflag:s23] =	ssyncset.done $0x0  }
0xa4: {  	s25 =	simm.s32 $0x1B8E;
	s24 =	sld [smem:$0x3FFE];
	[sflag:s23] =	ssyncadd.s32 $0xFFFFFFFF  }
0xa5: {  	s26 =	simm.s32 $execute0_lowered;
	[smem:$0x3FD2] =	sst s25  }
0xa6: {  	s4 =	sshll.u32 s26, $0x1;
	_ =	strace $0x80000046;
	[dreg:$0x1] =	wrdreg $0xFFFFFFFF  }
0xa7: {  	s28 =	simm.s32 $_size_execute0_lowered;
	s2 =	sadd.s32 s2, s4;
	[dreg:$0x0] =	wrdreg $0x0  }
0xa8: {  	s4 =	sshll.u32 s28, $0x1;
	[dreg:$0x2] =	wrdreg s2  }
0xa9: {  	[dreg:$0x3] =	wrdreg s4  }
0xaa: {  	[dreg:$0x4] =	wrdreg $0xC0  }
0xab: {  	_ =	task [dreg:s6], $0x5FFFF  }
0xac: {  	[dreg:$0x1] =	wrdreg $0xFFFFFFFF  }
0xad: {  	[dreg:$0x0] =	wrdreg $0x60  }
0xae: {  	[dreg:$0x2] =	wrdreg s24  }
0xaf: {  	[dreg:$0x3] =	wrdreg $0x68000  }
0xb0: {  	[dreg:$0x4] =	wrdreg $0x9  }
0xb1: {  	_ =	task.clear_ibuf [dreg:s6], $0x5FFFF;
	_ =	strace $0x90000046  }
0xb2: {  	s29 =	simm.s32 $0x9;
	_ =	strace $0x80000048  }
0xb3: {  	_ =	swait.ge [sflag:s29], $0x1  }
0xb4: {  	[sflag:s29] =	ssyncadd.s32 $0xFFFFFFFF  }
0xb5: {  	_ =	strace $0x90000048  }
0xb6: {  	_ =	sfence  }
0xb7: {  	s30 =	sld [smem:$0x0];
	_ =	sdelay $0x2  }
0xb8: {  	s31 =	sshll.u32 s1, $0xD;
	s1 =	sshrl.u32 s1, $0x2  }
0xb9: {  	s3 =	sand.u32 $0x4000, s31;
	s1 =	sadd.s32 s1, s30  }
0xba: {  	s0 =	sor.u32 s3, s0;
	s1 =	sshll.u32 s1, $0x11  }
0xbb: {  	s0 =	sor.u32 s1, s0  }
0xbc: {  	s0 =	sadd.s32 $0x8F2B, s0  }
0xbd: {  	[sflag:s0] =	ssyncadd.remote.s32 $0x1  }
0xbe: {  	_ =	sfence.sel $0xFFFF  }
0xbf: {  	[dreg:$0x0] =	wrdreg $0xFFFFFFFF;
	(pc) =	sbr.abs _section_cstart, $3  }
0xc0: {  	[dreg:$0x1] =	wrdreg $0xFFFFFFFF  }
0xc1: {  	_ =	task.clear_ibuf [dreg:s6], $0x2FFFF;
	_ =	strace $0x9FFFFFFF  }
0xc2: {  	(tm) =	ssettm $0x7FFFFFFF  }
0xc3: {  	_ =	shalt  }
tec
execute0_lowered:
.L_overlay_start_1:
0x0: {  	(tag) =	ssettag $0x1  }
0x1: {  	s5 =	rddreg [dreg:$0x0]  }
0x2: {  	s0 =	srdreg.scid;
	s2 =	rddreg [dreg:$0x1]  }
0x3: {  	s3 =	simm.s32 $0x0;
	s4 =	sand.u32 $0x1, s0;
	s0 =	stileid.u32  }
0x4: {  	s14 =	simm.s32 $0x1;
	s15 =	simm.s32 $0x0;
	s7 =	smul.u32 $0x13C00, s0  }
0x5: {  	[smem:$0x7FF] =	sst s3;
	s1 =	sshll.u32 s4, $0x4;
	s8 =	smul.u32 $0x13C000, s4  }
0x6: {  	s26 =	ssub.s32 $0x2, s4;
	s28 =	smul.u32 $0x4F000, s0;
	s4 =	sadd.s32 $0x3EA00, s5  }
0x7: {  	s31 =	sshll.u32 s0, $0x6;
	s1 =	sor.u32 s0, s1;
	s29 =	sshrl.u32 s26, $0x1  }
0x8: {  	s6 =	smul.u32 $0x500, s1;
	s1 =	rddreg [dreg:$0x2];
	_ =	strace $0x80000047  }
0x9: {  	s9 =	sshrl.u32 s7, $0x3;
	s7 =	sadd.s32 s7, s8;
	s12 =	ssub.s32 s26, s29  }
0xa: {  	s30 =	sshrl.u32 s28, $0x2;
	s25 =	sadd.s32 s9, s5;
	s7 =	sshrl.u32 s7, $0x3  }
0xb: {  	s13 =	sadd.s32 s30, s2;
	s9 =	smax.u32 s12, $0x1;
	s12 =	simm.s32 $0x2800  }
0xc: {  	s10 =	sadd.s32 s6, s5;
	s11 =	sadd.s32 s7, s5;
	s5 =	sadd.s32 $0x17200, s25  }
0xd: {  	s6 =	sor.u32 $0x1C02, s31;
	s7 =	sadd.s32 $0xD200, s10;
	s8 =	sadd.s32 $0x3F200, s11  }
0xe: {  	s10 =	sshrl.u32 s13, $0x3;
	s11 =	simm.s32 $0x2;
	s13 =	simm.s32 $0x80  }
.LBB2_1:
0xf: {  	[spmem:s10], [sflag:s6] =	dma.local [hbm:s5], $0x2780  }
0x10: {  	_ =	swait.ge [sflag:s11], $0x2780  }
0x11: {  	[sflag:s11] =	ssyncset.done $0x0  }
0x12: {  	[sflag:s11] =	ssyncadd.s32 $0xFFFFD880  }
0x13: {  	[tilespmem:s3], [sflag:$0x2] =	stream.linear.gather [hbm4b:s7+s3], $0x2800, $0x38;
	[tilespmem:$0x1A400] =	vst v63  }
0x14: {  	_ =	swait.ge [sflag:s11], $0x2800  }
0x15: {  	[sflag:s11] =	ssyncset.done $0x0  }
0x16: {  	[sflag:s11] =	ssyncadd.s32 $0xFFFFD800  }
0x17: {  	[tilespmem:s12], [sflag:$0x2] =	stream.linear.gather [hbm4b:s4+s3], $0x4000, $0x38;
	[tilespmem:$0x1A400] =	vst v63  }
0x18: {  	_ =	swait.ge [sflag:s11], $0x4000  }
0x19: {  	[sflag:s11] =	ssyncset.done $0x0  }
0x1a: {  	[sflag:s11] =	ssyncadd.s32 $0xFFFFC000  }
0x1b: {  	s16 =	simm.s32 $0x0;
	[bflag:$0x0] =	sbarrier.arrive $0xFFFF  }
0x1c: {  	[spmem:s2] =	stream.indirect.scatter.add.f32 [tilespmem:s12], [sflag:$0x1], $0x80, s16, s13, $0xb8;
	[tilespmem:$0x1A400] =	vst v63  }
0x1d: {  	s29 =	simm.s32 $0x80  }
0x1e: {  	[spmem:s2] =	stream.indirect.scatter.add.f32 [tilespmem:s12], [sflag:$0x1], $0x80, s29, s13, $0xb8;
	[tilespmem:$0x1A400] =	vst v63  }
0x1f: {  	s30 =	simm.s32 $0x100  }
0x20: {  	[spmem:s2] =	stream.indirect.scatter.add.f32 [tilespmem:s12], [sflag:$0x1], $0x80, s30, s13, $0xb8;
	[tilespmem:$0x1A400] =	vst v63  }
0x21: {  	s31 =	simm.s32 $0x180  }
0x22: {  	[spmem:s2] =	stream.indirect.scatter.add.f32 [tilespmem:s12], [sflag:$0x1], $0x80, s31, s13, $0xb8;
	[tilespmem:$0x1A400] =	vst v63  }
0x23: {  	_ =	swait.ge [sflag:s14], $0x4000  }
0x24: {  	[sflag:s14] =	ssyncset.done $0x0  }
0x25: {  	[sflag:s14] =	ssyncadd.s32 $0xFFFFC000  }
0x26: {  	_ =	swait.ge [sflag:s14], $0x4000  }
0x27: {  	[sflag:s14] =	ssyncset.done $0x0  }
0x28: {  	[sflag:s14] =	ssyncadd.s32 $0xFFFFC000  }
0x29: {  	_ =	swait.ge [sflag:s14], $0x4000  }
0x2a: {  	[sflag:s14] =	ssyncset.done $0x0  }
0x2b: {  	[sflag:s14] =	ssyncadd.s32 $0xFFFFC000  }
0x2c: {  	_ =	swait.ge [sflag:s14], $0x4000  }
0x2d: {  	s17 =	simm.s32 $0x1000;
	s16 =	simm.s32 $0x800;
	[sflag:s14] =	ssyncset.done $0x0  }
.LBB2_2:
0x2e: {  	s18 =	sshra.s32 s16, $0x2  }
0x2f: {  	[sflag:s14] =	ssyncadd.s32 $0xFFFFC000;
	s16 =	smov.u32 s17;
	s19 =	sadd.s32 $0x800, s17  }
0x30: {  	[spmem:s2] =	stream.indirect.scatter.add.f32 [tilespmem:s12], [sflag:$0x1], $0x80, s18, s13, $0xb8;
	[tilespmem:$0x1A400] =	vst v63  }
0x31: {  	p0 =	sne.s32 s17, $0x9800;
	s17 =	sadd.s32 $0x80, s18  }
0x32: {  	[spmem:s2] =	stream.indirect.scatter.add.f32 [tilespmem:s12], [sflag:$0x1], $0x80, s17, s13, $0xb8;
	[tilespmem:$0x1A400] =	vst v63  }
0x33: {  	s17 =	sadd.s32 $0x100, s18  }
0x34: {  	[spmem:s2] =	stream.indirect.scatter.add.f32 [tilespmem:s12], [sflag:$0x1], $0x80, s17, s13, $0xb8;
	[tilespmem:$0x1A400] =	vst v63  }
0x35: {  	s17 =	sadd.s32 $0x180, s18  }
0x36: {  	[spmem:s2] =	stream.indirect.scatter.add.f32 [tilespmem:s12], [sflag:$0x1], $0x80, s17, s13, $0xb8;
	[tilespmem:$0x1A400] =	vst v63  }
0x37: {  	_ =	swait.ge [sflag:s14], $0x4000  }
0x38: {  	[sflag:s14] =	ssyncset.done $0x0  }
0x39: {  	[sflag:s14] =	ssyncadd.s32 $0xFFFFC000  }
0x3a: {  	_ =	swait.ge [sflag:s14], $0x4000  }
0x3b: {  	[sflag:s14] =	ssyncset.done $0x0  }
0x3c: {  	[sflag:s14] =	ssyncadd.s32 $0xFFFFC000  }
.Ltmp0:
0x3d: {  	_ =	swait.ge [sflag:s14], $0x4000;
	(pc) =	sbr.rel @p0 .LBB2_2-.Ltmp0, $4  }
0x3e: {  	[sflag:s14] =	ssyncset.done $0x0  }
0x3f: {  	[sflag:s14] =	ssyncadd.s32 $0xFFFFC000  }
0x40: {  	_ =	swait.ge [sflag:s14], $0x4000  }
0x41: {  	s17 =	smov.u32 s19;
	[sflag:s14] =	ssyncset.done $0x0  }
0x42: {  	s16 =	sshra.s32 s16, $0x2;
	[sflag:s14] =	ssyncadd.s32 $0xFFFFC000  }
0x43: {  	[spmem:s2] =	stream.indirect.scatter.add.f32 [tilespmem:s12], [sflag:$0x1], $0x80, s16, s13, $0xb8;
	[tilespmem:$0x1A400] =	vst v63  }
0x44: {  	s17 =	sadd.s32 $0x80, s16  }
0x45: {  	[spmem:s2] =	stream.indirect.scatter.add.f32 [tilespmem:s12], [sflag:$0x1], $0x80, s17, s13, $0xb8;
	[tilespmem:$0x1A400] =	vst v63  }
0x46: {  	s31 =	sadd.s32 $0x100, s16  }
0x47: {  	[spmem:s2] =	stream.indirect.scatter.add.f32 [tilespmem:s12], [sflag:$0x1], $0x80, s31, s13, $0xb8;
	[tilespmem:$0x1A400] =	vst v63  }
0x48: {  	s16 =	sadd.s32 $0x180, s16  }
0x49: {  	[spmem:s2] =	stream.indirect.scatter.add.f32 [tilespmem:s12], [sflag:$0x1], $0x80, s16, s13, $0xb8;
	[tilespmem:$0x1A400] =	vst v63  }
0x4a: {  	_ =	swait.ge [sflag:s14], $0x4000  }
0x4b: {  	[sflag:s14] =	ssyncset.done $0x0  }
0x4c: {  	[sflag:s14] =	ssyncadd.s32 $0xFFFFC000  }
0x4d: {  	_ =	swait.ge [sflag:s14], $0x4000  }
0x4e: {  	[sflag:s14] =	ssyncset.done $0x0  }
0x4f: {  	[sflag:s14] =	ssyncadd.s32 $0xFFFFC000  }
0x50: {  	_ =	swait.ge [sflag:s14], $0x4000  }
0x51: {  	[sflag:s14] =	ssyncset.done $0x0  }
0x52: {  	[sflag:s14] =	ssyncadd.s32 $0xFFFFC000  }
0x53: {  	_ =	swait.ge [sflag:s14], $0x4000  }
0x54: {  	s15 =	sadd.s32 $0x1, s15;
	[sflag:s14] =	ssyncset.done $0x0  }
0x55: {  	p0 =	sne.s32 s15, s9;
	[sflag:s14] =	ssyncadd.s32 $0xFFFFC000  }
.Ltmp1:
0x56: {  	[bflag:$0x0] =	sbarrier.arrive $0xFFFF;
	(pc) =	sbr.rel @p0 .LBB2_1-.Ltmp1, $4  }
0x57: {  	[hbm:s8], [sflag:s6] =	dma.local [spmem:s10], $0x2780  }
0x58: {  	_ =	swait.ge [sflag:s11], $0x2780  }
0x59: {  	[sflag:s11] =	ssyncset.done $0x0  }
0x5a: {  	[sflag:s11] =	ssyncadd.s32 $0xFFFFD880  }
0x5b: {  	_ =	sfence.sel $0x180000  }
0x5c: {  	[bflag:$0x0] =	sbarrier.arrive $0xFFFF  }
0x5d: {  	p0 =	sne.s32 s0, $0x0;
	_ =	strace $0x90000047  }
0x5e: {  	s0 =	sadd.s32 @!p0 $0x100000, s1;
	[bflag:$0x2] =	sbarrier.arrive $0xFFFF  }
0x5f: {  	[sflag:s0] =	ssyncadd.tile.s32 @!p0 $0x1;
	_ =	shalt  }
.Lfunc_end2:
_tile_overlayer_lowered:
.L_overlay_start_2:
0x60: {  	(tag) =	ssettag $0x2  }
0x61: {  	s0 =	rddreg [dreg:$0x0];
	s2 =	stileid.u32  }
0x62: {  	s1 =	rddreg [dreg:$0x1];
	p0 =	sne.s32 s2, $0x0  }
0x63: {  	s3 =	rddreg [dreg:$0x2];
	[bflag:$0x3] =	sbarrier.arrive $0xFFFF;
	s2 =	simm.s32 @!p0 $0x1C02  }
0x64: {  	[timem:s3], [sflag:s2] =	dma.local @!p0 [hbm:s0], s1  }
0x65: {  	s0 =	simm.s32 @!p0 $0x2  }
0x66: {  	_ =	swait.ge @!p0 [sflag:s0], s1  }
0x67: {  	s1 =	ssub.s32 @!p0 $0x0, s1;
	[sflag:s0] =	ssyncset.done @!p0 $0x0  }
0x68: {  	[sflag:s0] =	ssyncadd.s32 @!p0 s1  }
0x69: {  	[bflag:$0x3] =	sbarrier.arrive $0xFFFF  }
0x6a: {  	_ =	shalt  }

</sc_bundles>
